<compile_context>
chip_gen: v7x
topology: tpu7x:2x2x1
jax: 0.10.2.dev20260603
libtpu: 0.0.44.dev20260713+nightly
codegen_flags: <defaults>
</compile_context>

<pallas_src>
import functools
import math

import jax
import jax.numpy as jnp
from jax import lax
from jax.experimental import pallas as pl
from jax.experimental.pallas import tpu as pltpu
from jax.experimental.pallas import tpu_sc as plsc

D_MODEL = 512
LANES = 16
NUM_CORES = 2
NUM_SUBCORES = 16
NUM_WORKERS = NUM_CORES * NUM_SUBCORES
CHUNK = 32
NBUF = 7
AHEAD = 5


@functools.lru_cache(maxsize=None)
def _make_embedding_kernel(nrows: int, ncols: int):
    batch = nrows * ncols
    rows_per_worker = batch // NUM_WORKERS
    num_chunks = rows_per_worker // CHUNK
    assert num_chunks >= NBUF > AHEAD >= 1 and NBUF - AHEAD >= 2
    assert ncols % rows_per_worker == 0
    workers_per_row = ncols // rows_per_worker
    scale = math.sqrt(D_MODEL)
    mesh = plsc.VectorSubcoreMesh(core_axis_name="c", subcore_axis_name="s")

    @functools.partial(
        pl.kernel,
        out_type=jax.ShapeDtypeStruct((batch, D_MODEL), jnp.float32),
        mesh=mesh,
        scratch_types=[
            pltpu.VMEM((rows_per_worker,), jnp.int32),
            pltpu.VMEM((NBUF, CHUNK, D_MODEL), jnp.float32),
            pltpu.SemaphoreType.DMA((NBUF,)),
            pltpu.SemaphoreType.DMA((NBUF,)),
        ],
    )
    def emb_kernel(table_hbm, idx_hbm, out_hbm, idx_v, bufs, gsems, wsems):
        wid = lax.axis_index("s") * NUM_CORES + lax.axis_index("c")
        base = wid * rows_per_worker
        pltpu.sync_copy(
            idx_hbm.at[
                wid // workers_per_row,
                pl.ds((wid % workers_per_row) * rows_per_worker, rows_per_worker),
            ],
            idx_v,
        )

        def start_gather(c, b):
            gh = CHUNK // 2
            for h in range(2):
                pltpu.async_copy(
                    table_hbm.at[idx_v.at[pl.ds(c * CHUNK + h * gh, gh)]],
                    bufs.at[b, pl.ds(h * gh, gh)],
                    gsems.at[b],
                )

        def wait_gather(c, b):
            pltpu.make_async_copy(
                table_hbm.at[idx_v.at[pl.ds(c * CHUNK, CHUNK)]],
                bufs.at[b],
                gsems.at[b],
            ).wait()

        def start_wb(c, b):
            pltpu.async_copy(
                bufs.at[b],
                out_hbm.at[pl.ds(base + c * CHUNK, CHUNK)],
                wsems.at[b],
            )

        def wait_wb(c, b):
            pltpu.make_async_copy(
                bufs.at[b],
                out_hbm.at[pl.ds(base + c * CHUNK, CHUNK)],
                wsems.at[b],
            ).wait()

        @pl.loop(0, AHEAD)
        def _(c):
            start_gather(c, c)

        @pl.loop(0, num_chunks)
        def _(c):
            b = lax.rem(c, NBUF)
            wait_gather(c, b)
            nc = c + AHEAD

            @pl.when(nc < num_chunks)
            def _():
                b2 = lax.rem(nc, NBUF)

                @pl.when(nc >= NBUF)
                def _():
                    wait_wb(nc - NBUF, b2)

                start_gather(nc, b2)

            half = CHUNK // 2
            for h in range(2):

                @pl.loop(h * half, (h + 1) * half)
                def _(r):
                    for c0 in range(0, D_MODEL, LANES):
                        bufs[b, r, pl.ds(c0, LANES)] = (
                            bufs[b, r, pl.ds(c0, LANES)] * scale
                        )

                pltpu.async_copy(
                    bufs.at[b, pl.ds(h * half, half)],
                    out_hbm.at[pl.ds(base + c * CHUNK + h * half, half)],
                    wsems.at[b],
                )

        @pl.loop(num_chunks - NBUF, num_chunks)
        def _(c):
            wait_wb(c, lax.rem(c, NBUF))

    return emb_kernel


@jax.jit
def kernel(x, table):
    b, s = x.shape
    out = _make_embedding_kernel(b, s)(table, x.astype(jnp.int32))
    return out.reshape(b, s, D_MODEL)

# --- scband reference (transcript-rebuilt; emitter-appended) ---
"""Pipeline reference for scband-token-embedding-90735479095634 (READ-ONLY COPY).

The authoritative reference and input builder live on the scoring server;
editing this copy changes nothing except your own understanding.
"""

import jax, jax.numpy as jnp
import numpy as np
import math

VOCAB_SIZE = 100000
D_MODEL = 512
BATCH = 4
SEQ_LEN = 8192

def setup_inputs(seed: int = 0) -> dict:
    key = jax.random.key(seed)
    k1, k2 = jax.random.split(key)
    x = jax.random.randint(k1, (BATCH, SEQ_LEN), 0, VOCAB_SIZE, dtype=jnp.int64 if jax.config.jax_enable_x64 else jnp.int32)
    # nn.Embedding default init: N(0, 1)
    table = jax.random.normal(k2, (VOCAB_SIZE, D_MODEL), dtype=jnp.float32)
    return {"x": x, "table": table}

def reference(x, table):
    scale = math.sqrt(D_MODEL)
    emb = jnp.take(table, x, axis=0)  # [B, S, d_model]
    return emb * scale

if __name__ == "__main__":
    import jax
    _d = setup_inputs()
    print(jax.jit(kernel)(*tuple(_d.values())))

</pallas_src>

<mosaic_0001>
#map = affine_map<(d0, d1) -> (0, 0)>
module attributes {stable_mosaic.version = 14 : i64} {
  func.func @emb_kernel(%arg0: i32, %arg1: i32, %arg2: memref<100000x512xf32, #tpu.memory_space<hbm>>, %arg3: memref<4x8192xi32, #tpu.memory_space<hbm>>, %arg4: memref<32768x512xf32, #tpu.memory_space<hbm>>, %arg5: memref<1024xi32, #tpu.memory_space<vmem>>, %arg6: memref<7x32x512xf32, #tpu.memory_space<vmem>>, %arg7: memref<7x!tpu.dma_semaphore, #tpu.memory_space<semaphore_mem>>, %arg8: memref<7x!tpu.dma_semaphore, #tpu.memory_space<semaphore_mem>>) attributes {dimension_semantics = [#tpu.dimension_semantics<core_parallel>, #tpu.dimension_semantics<subcore_parallel>], iteration_bounds = array<i64: 2, 16>, scalar_prefetch = 0 : i64, scratch_operands = 4 : i64, tpu.core_type = #tpu.core_type<sc_vector_subcore>, window_params = [{transform_indices = #map}, {transform_indices = #map}, {transform_indices = #map}]} {
    %mul3A = arith.constant 2 : i32
    %mul3A_0 = arith.muli %arg1, %mul3A : i32
    %add3A = arith.addi %mul3A_0, %arg0 : i32
    %mul3A_1 = arith.constant 1024 : i32
    %mul3A_2 = arith.muli %add3A, %mul3A_1 : i32
    %jit3A = arith.constant 8 : i32
    %div3A = arith.divsi %add3A, %jit3A : i32
    %sign3A = arith.constant 0 : i32
    %sign3A_3 = arith.cmpi sgt, %add3A, %sign3A : i32
    %sign3A_4 = arith.extui %sign3A_3 : i1 to i32
    %sign3A_5 = arith.constant 0 : i32
    %sign3A_6 = arith.cmpi slt, %add3A, %sign3A_5 : i32
    %sign3A_7 = arith.extui %sign3A_6 : i1 to i32
    %sign3A_8 = arith.subi %sign3A_4, %sign3A_7 : i32
    %sign3A_9 = arith.constant 0 : i32
    %sign3A_10 = arith.cmpi sgt, %jit3A, %sign3A_9 : i32
    %sign3A_11 = arith.extui %sign3A_10 : i1 to i32
    %sign3A_12 = arith.constant 0 : i32
    %sign3A_13 = arith.cmpi slt, %jit3A, %sign3A_12 : i32
    %sign3A_14 = arith.extui %sign3A_13 : i1 to i32
    %sign3A_15 = arith.subi %sign3A_11, %sign3A_14 : i32
    %ne3A = arith.cmpi ne, %sign3A_8, %sign3A_15 : i32
    %rem3A = arith.remsi %add3A, %jit3A : i32
    %ne3A_16 = arith.constant 0 : i32
    %ne3A_17 = arith.cmpi ne, %rem3A, %ne3A_16 : i32
    %and3A = arith.andi %ne3A, %ne3A_17 : i1
    %sub3A = arith.constant 1 : i32
    %sub3A_18 = arith.subi %div3A, %sub3A : i32
    %select_n3A = arith.select %and3A, %sub3A_18, %div3A : i32
    %jit3A_19 = arith.constant 8 : i32
    %eq3A = arith.constant 0 : i32
    %eq3A_20 = arith.cmpi eq, %jit3A_19, %eq3A : i32
    %jit3A_21 = arith.constant 1 : i32
    %select_n3A_22 = arith.select %eq3A_20, %jit3A_21, %jit3A_19 : i32
    %rem3A_23 = arith.remsi %add3A, %select_n3A_22 : i32
    %ne3A_24 = arith.constant 0 : i32
    %ne3A_25 = arith.cmpi ne, %rem3A_23, %ne3A_24 : i32
    %lt3A = arith.constant 0 : i32
    %lt3A_26 = arith.cmpi slt, %rem3A_23, %lt3A : i32
    %lt3A_27 = arith.constant 0 : i32
    %lt3A_28 = arith.cmpi slt, %select_n3A_22, %lt3A_27 : i32
    %ne3A_29 = arith.xori %lt3A_26, %lt3A_28 : i1
    %and3A_30 = arith.andi %ne3A_29, %ne3A_25 : i1
    %add3A_31 = arith.addi %rem3A_23, %select_n3A_22 : i32
    %select_n3A_32 = arith.select %and3A_30, %add3A_31, %rem3A_23 : i32
    %mul3A_33 = arith.constant 1024 : i32
    %mul3A_34 = arith.muli %select_n3A_32, %mul3A_33 : i32
    "tpu.region"() ({
      %run_scoped3A = tpu.sem_alloc : memref<!tpu.dma_semaphore, #tpu.memory_space<semaphore_mem>>
      %dma_start3A = tpu.memref_slice %arg3[%select_n3A, %mul3A_34] : memref<4x8192xi32, #tpu.memory_space<hbm>> -> memref<1x1024xi32, #tpu.memory_space<hbm>>
      %dma_start3A_49 = tpu.memref_squeeze %dma_start3A : memref<1x1024xi32, #tpu.memory_space<hbm>> -> memref<1024xi32, #tpu.memory_space<hbm>>
      %dma_start3A_50 = tpu.memref_slice %arg3[%select_n3A, %mul3A_34] : memref<4x8192xi32, #tpu.memory_space<hbm>> -> memref<1x1024xi32, #tpu.memory_space<hbm>>
      %dma_start3A_51 = tpu.memref_squeeze %dma_start3A_50 : memref<1x1024xi32, #tpu.memory_space<hbm>> -> memref<1024xi32, #tpu.memory_space<hbm>>
      tpu.enqueue_dma source(%dma_start3A_51 : memref<1024xi32, #tpu.memory_space<hbm>>) target(%arg5 : memref<1024xi32, #tpu.memory_space<vmem>>) target_semaphore(%run_scoped3A : memref<!tpu.dma_semaphore, #tpu.memory_space<semaphore_mem>>)
      %dma_wait3A = tpu.memref_slice %arg3[%select_n3A, %mul3A_34] : memref<4x8192xi32, #tpu.memory_space<hbm>> -> memref<1x1024xi32, #tpu.memory_space<hbm>>
      %dma_wait3A_52 = tpu.memref_squeeze %dma_wait3A : memref<1x1024xi32, #tpu.memory_space<hbm>> -> memref<1024xi32, #tpu.memory_space<hbm>>
      %dma_wait3A_53 = tpu.memref_slice %arg3[%select_n3A, %mul3A_34] : memref<4x8192xi32, #tpu.memory_space<hbm>> -> memref<1x1024xi32, #tpu.memory_space<hbm>>
      %dma_wait3A_54 = tpu.memref_squeeze %dma_wait3A_53 : memref<1x1024xi32, #tpu.memory_space<hbm>> -> memref<1024xi32, #tpu.memory_space<hbm>>
      tpu.wait_dma2 semaphore(%run_scoped3A : memref<!tpu.dma_semaphore, #tpu.memory_space<semaphore_mem>>) src(%dma_wait3A_54 : memref<1024xi32, #tpu.memory_space<hbm>>) dst(%arg5 : memref<1024xi32, #tpu.memory_space<vmem>>)
      tpu.yield
    }) : () -> ()
    %scan3A = arith.constant 0 : i32
    %scan3A_35 = arith.constant 5 : i32
    %scan3A_36 = arith.addi %scan3A, %scan3A_35 : i32
    %scan3A_37 = arith.constant 1 : i32
    scf.for %scan3A_49 = %scan3A to %scan3A_36 step %scan3A_37  : i32 {
      %mul3A_50 = arith.constant 1 : i32
      %mul3A_51 = arith.muli %scan3A_49, %mul3A_50 : i32
      %add3A_52 = arith.constant 0 : i32
      %add3A_53 = arith.addi %add3A_52, %mul3A_51 : i32
      %mul3A_54 = arith.constant 32 : i32
      %mul3A_55 = arith.muli %add3A_53, %mul3A_54 : i32
      %add3A_56 = arith.constant 0 : i32
      %add3A_57 = arith.addi %mul3A_55, %add3A_56 : i32
      %dma_start3A = arith.constant 0 : i32
      %dma_start3A_58 = arith.constant 0 : i32
      %dma_start3A_59 = tpu.memref_slice %arg6[%add3A_53, %dma_start3A, %dma_start3A_58] : memref<7x32x512xf32, #tpu.memory_space<vmem>> -> memref<1x16x512xf32, #tpu.memory_space<vmem>>
      %dma_start3A_60 = tpu.memref_squeeze %dma_start3A_59 : memref<1x16x512xf32, #tpu.memory_space<vmem>> -> memref<16x512xf32, #tpu.memory_space<vmem>>
      %dma_start3A_61 = tpu.memref_slice %arg5[%add3A_57] : memref<1024xi32, #tpu.memory_space<vmem>> -> memref<16xi32, #tpu.memory_space<vmem>>
      %dma_start3A_62 = arith.constant 0 : i32
      %dma_start3A_63 = arith.constant 0 : i32
      %dma_start3A_64 = tpu.memref_slice %arg2[%dma_start3A_62, %dma_start3A_63] : memref<100000x512xf32, #tpu.memory_space<hbm>> -> memref<100000x512xf32, #tpu.memory_space<hbm>>
      %dma_start3A_65 = tpu.memref_slice %arg7[%add3A_53] : memref<7x!tpu.dma_semaphore, #tpu.memory_space<semaphore_mem>> -> memref<1x!tpu.dma_semaphore, #tpu.memory_space<semaphore_mem>>
      %dma_start3A_66 = tpu.memref_squeeze %dma_start3A_65 : memref<1x!tpu.dma_semaphore, #tpu.memory_space<semaphore_mem>> -> memref<!tpu.dma_semaphore, #tpu.memory_space<semaphore_mem>>
      tpu.enqueue_indirect_dma source(%dma_start3A_64 : memref<100000x512xf32, #tpu.memory_space<hbm>>) target(%dma_start3A_60 : memref<16x512xf32, #tpu.memory_space<vmem>>) offsets(%dma_start3A_61 : memref<16xi32, #tpu.memory_space<vmem>>) semaphore(%dma_start3A_66 : memref<!tpu.dma_semaphore, #tpu.memory_space<semaphore_mem>>)
      %mul3A_67 = arith.constant 32 : i32
      %mul3A_68 = arith.muli %add3A_53, %mul3A_67 : i32
      %add3A_69 = arith.constant 16 : i32
      %add3A_70 = arith.addi %mul3A_68, %add3A_69 : i32
      %dma_start3A_71 = arith.constant 16 : i32
      %dma_start3A_72 = arith.constant 0 : i32
      %dma_start3A_73 = tpu.memref_slice %arg6[%add3A_53, %dma_start3A_71, %dma_start3A_72] : memref<7x32x512xf32, #tpu.memory_space<vmem>> -> memref<1x16x512xf32, #tpu.memory_space<vmem>>
      %dma_start3A_74 = tpu.memref_squeeze %dma_start3A_73 : memref<1x16x512xf32, #tpu.memory_space<vmem>> -> memref<16x512xf32, #tpu.memory_space<vmem>>
      %dma_start3A_75 = tpu.memref_slice %arg5[%add3A_70] : memref<1024xi32, #tpu.memory_space<vmem>> -> memref<16xi32, #tpu.memory_space<vmem>>
      %dma_start3A_76 = arith.constant 0 : i32
      %dma_start3A_77 = arith.constant 0 : i32
      %dma_start3A_78 = tpu.memref_slice %arg2[%dma_start3A_76, %dma_start3A_77] : memref<100000x512xf32, #tpu.memory_space<hbm>> -> memref<100000x512xf32, #tpu.memory_space<hbm>>
      %dma_start3A_79 = tpu.memref_slice %arg7[%add3A_53] : memref<7x!tpu.dma_semaphore, #tpu.memory_space<semaphore_mem>> -> memref<1x!tpu.dma_semaphore, #tpu.memory_space<semaphore_mem>>
      %dma_start3A_80 = tpu.memref_squeeze %dma_start3A_79 : memref<1x!tpu.dma_semaphore, #tpu.memory_space<semaphore_mem>> -> memref<!tpu.dma_semaphore, #tpu.memory_space<semaphore_mem>>
      tpu.enqueue_indirect_dma source(%dma_start3A_78 : memref<100000x512xf32, #tpu.memory_space<hbm>>) target(%dma_start3A_74 : memref<16x512xf32, #tpu.memory_space<vmem>>) offsets(%dma_start3A_75 : memref<16xi32, #tpu.memory_space<vmem>>) semaphore(%dma_start3A_80 : memref<!tpu.dma_semaphore, #tpu.memory_space<semaphore_mem>>)
    }
    %scan3A_38 = arith.constant 5 : i32
    %scan3A_39 = arith.constant 0 : i32
    %scan3A_40 = arith.constant 32 : i32
    %scan3A_41 = arith.addi %scan3A_39, %scan3A_40 : i32
    %scan3A_42 = arith.constant 1 : i32
    scf.for %scan3A_49 = %scan3A_39 to %scan3A_41 step %scan3A_42  : i32 {
      %mul3A_50 = arith.constant 1 : i32
      %mul3A_51 = arith.muli %scan3A_49, %mul3A_50 : i32
      %add3A_52 = arith.constant 0 : i32
      %add3A_53 = arith.addi %add3A_52, %mul3A_51 : i32
      %rem3A_54 = arith.constant 7 : i32
      %rem3A_55 = arith.remsi %add3A_53, %rem3A_54 : i32
      %mul3A_56 = arith.constant 32 : i32
      %mul3A_57 = arith.muli %add3A_53, %mul3A_56 : i32
      %dma_wait3A = arith.constant 0 : i32
      %dma_wait3A_58 = arith.constant 0 : i32
      %dma_wait3A_59 = tpu.memref_slice %arg6[%rem3A_55, %dma_wait3A, %dma_wait3A_58] : memref<7x32x512xf32, #tpu.memory_space<vmem>> -> memref<1x32x512xf32, #tpu.memory_space<vmem>>
      %dma_wait3A_60 = tpu.memref_squeeze %dma_wait3A_59 : memref<1x32x512xf32, #tpu.memory_space<vmem>> -> memref<32x512xf32, #tpu.memory_space<vmem>>
      %dma_wait3A_61 = tpu.memref_slice %arg5[%mul3A_57] : memref<1024xi32, #tpu.memory_space<vmem>> -> memref<32xi32, #tpu.memory_space<vmem>>
      %dma_wait3A_62 = arith.constant 0 : i32
      %dma_wait3A_63 = arith.constant 0 : i32
      %dma_wait3A_64 = tpu.memref_slice %arg2[%dma_wait3A_62, %dma_wait3A_63] : memref<100000x512xf32, #tpu.memory_space<hbm>> -> memref<100000x512xf32, #tpu.memory_space<hbm>>
      %dma_wait3A_65 = tpu.memref_slice %arg7[%rem3A_55] : memref<7x!tpu.dma_semaphore, #tpu.memory_space<semaphore_mem>> -> memref<1x!tpu.dma_semaphore, #tpu.memory_space<semaphore_mem>>
      %dma_wait3A_66 = tpu.memref_squeeze %dma_wait3A_65 : memref<1x!tpu.dma_semaphore, #tpu.memory_space<semaphore_mem>> -> memref<!tpu.dma_semaphore, #tpu.memory_space<semaphore_mem>>
      tpu.wait_indirect_dma semaphore(%dma_wait3A_66 : memref<!tpu.dma_semaphore, #tpu.memory_space<semaphore_mem>>) src(%dma_wait3A_64 : memref<100000x512xf32, #tpu.memory_space<hbm>>) dst(%dma_wait3A_60 : memref<32x512xf32, #tpu.memory_space<vmem>>)
      %add3A_67 = arith.constant 5 : i32
      %add3A_68 = arith.addi %add3A_53, %add3A_67 : i32
      %lt3A_69 = arith.constant 32 : i32
      %lt3A_70 = arith.cmpi slt, %add3A_68, %lt3A_69 : i32
      %convert_element_type3A = arith.extui %lt3A_70 : i1 to i32
      %cond3A = arith.constant 0 : i32
      %cond3A_71 = arith.cmpi ne, %convert_element_type3A, %cond3A : i32
      scf.if %cond3A_71 {
        %rem3A_119 = arith.constant 7 : i32
        %rem3A_120 = arith.remsi %add3A_68, %rem3A_119 : i32
        %ge3A = arith.constant 7 : i32
        %ge3A_121 = arith.cmpi sge, %add3A_68, %ge3A : i32
        %convert_element_type3A_122 = arith.extui %ge3A_121 : i1 to i32
        %cond3A_123 = arith.constant 0 : i32
        %cond3A_124 = arith.cmpi ne, %convert_element_type3A_122, %cond3A_123 : i32
        scf.if %cond3A_124 {
          %sub3A_153 = arith.constant 7 : i32
          %sub3A_154 = arith.subi %add3A_68, %sub3A_153 : i32
          %mul3A_155 = arith.constant 32 : i32
          %mul3A_156 = arith.muli %sub3A_154, %mul3A_155 : i32
          %add3A_157 = arith.addi %mul3A_2, %mul3A_156 : i32
          %dma_wait3A_158 = arith.constant 0 : i32
          %dma_wait3A_159 = arith.constant 0 : i32
          %dma_wait3A_160 = tpu.memref_slice %arg6[%rem3A_120, %dma_wait3A_158, %dma_wait3A_159] : memref<7x32x512xf32, #tpu.memory_space<vmem>> -> memref<1x32x512xf32, #tpu.memory_space<vmem>>
          %dma_wait3A_161 = tpu.memref_squeeze %dma_wait3A_160 : memref<1x32x512xf32, #tpu.memory_space<vmem>> -> memref<32x512xf32, #tpu.memory_space<vmem>>
          %dma_wait3A_162 = arith.constant 0 : i32
          %dma_wait3A_163 = tpu.memref_slice %arg4[%add3A_157, %dma_wait3A_162] : memref<32768x512xf32, #tpu.memory_space<hbm>> -> memref<32x512xf32, #tpu.memory_space<hbm>>
          %dma_wait3A_164 = tpu.memref_slice %arg8[%rem3A_120] : memref<7x!tpu.dma_semaphore, #tpu.memory_space<semaphore_mem>> -> memref<1x!tpu.dma_semaphore, #tpu.memory_space<semaphore_mem>>
          %dma_wait3A_165 = tpu.memref_squeeze %dma_wait3A_164 : memref<1x!tpu.dma_semaphore, #tpu.memory_space<semaphore_mem>> -> memref<!tpu.dma_semaphore, #tpu.memory_space<semaphore_mem>>
          %dma_wait3A_166 = arith.constant 0 : i32
          %dma_wait3A_167 = tpu.memref_slice %arg4[%add3A_157, %dma_wait3A_166] : memref<32768x512xf32, #tpu.memory_space<hbm>> -> memref<32x512xf32, #tpu.memory_space<hbm>>
          %dma_wait3A_168 = arith.constant 0 : i32
          %dma_wait3A_169 = arith.constant 0 : i32
          %dma_wait3A_170 = tpu.memref_slice %arg6[%rem3A_120, %dma_wait3A_168, %dma_wait3A_169] : memref<7x32x512xf32, #tpu.memory_space<vmem>> -> memref<1x32x512xf32, #tpu.memory_space<vmem>>
          %dma_wait3A_171 = tpu.memref_squeeze %dma_wait3A_170 : memref<1x32x512xf32, #tpu.memory_space<vmem>> -> memref<32x512xf32, #tpu.memory_space<vmem>>
          tpu.wait_dma2 semaphore(%dma_wait3A_165 : memref<!tpu.dma_semaphore, #tpu.memory_space<semaphore_mem>>) src(%dma_wait3A_171 : memref<32x512xf32, #tpu.memory_space<vmem>>) dst(%dma_wait3A_167 : memref<32x512xf32, #tpu.memory_space<hbm>>)
        } else {
        }
        %mul3A_125 = arith.constant 32 : i32
        %mul3A_126 = arith.muli %add3A_68, %mul3A_125 : i32
        %add3A_127 = arith.constant 0 : i32
        %add3A_128 = arith.addi %mul3A_126, %add3A_127 : i32
        %dma_start3A_129 = arith.constant 0 : i32
        %dma_start3A_130 = arith.constant 0 : i32
        %dma_start3A_131 = tpu.memref_slice %arg6[%rem3A_120, %dma_start3A_129, %dma_start3A_130] : memref<7x32x512xf32, #tpu.memory_space<vmem>> -> memref<1x16x512xf32, #tpu.memory_space<vmem>>
        %dma_start3A_132 = tpu.memref_squeeze %dma_start3A_131 : memref<1x16x512xf32, #tpu.memory_space<vmem>> -> memref<16x512xf32, #tpu.memory_space<vmem>>
        %dma_start3A_133 = tpu.memref_slice %arg5[%add3A_128] : memref<1024xi32, #tpu.memory_space<vmem>> -> memref<16xi32, #tpu.memory_space<vmem>>
        %dma_start3A_134 = arith.constant 0 : i32
        %dma_start3A_135 = arith.constant 0 : i32
        %dma_start3A_136 = tpu.memref_slice %arg2[%dma_start3A_134, %dma_start3A_135] : memref<100000x512xf32, #tpu.memory_space<hbm>> -> memref<100000x512xf32, #tpu.memory_space<hbm>>
        %dma_start3A_137 = tpu.memref_slice %arg7[%rem3A_120] : memref<7x!tpu.dma_semaphore, #tpu.memory_space<semaphore_mem>> -> memref<1x!tpu.dma_semaphore, #tpu.memory_space<semaphore_mem>>
        %dma_start3A_138 = tpu.memref_squeeze %dma_start3A_137 : memref<1x!tpu.dma_semaphore, #tpu.memory_space<semaphore_mem>> -> memref<!tpu.dma_semaphore, #tpu.memory_space<semaphore_mem>>
        tpu.enqueue_indirect_dma source(%dma_start3A_136 : memref<100000x512xf32, #tpu.memory_space<hbm>>) target(%dma_start3A_132 : memref<16x512xf32, #tpu.memory_space<vmem>>) offsets(%dma_start3A_133 : memref<16xi32, #tpu.memory_space<vmem>>) semaphore(%dma_start3A_138 : memref<!tpu.dma_semaphore, #tpu.memory_space<semaphore_mem>>)
        %mul3A_139 = arith.constant 32 : i32
        %mul3A_140 = arith.muli %add3A_68, %mul3A_139 : i32
        %add3A_141 = arith.constant 16 : i32
        %add3A_142 = arith.addi %mul3A_140, %add3A_141 : i32
        %dma_start3A_143 = arith.constant 16 : i32
        %dma_start3A_144 = arith.constant 0 : i32
        %dma_start3A_145 = tpu.memref_slice %arg6[%rem3A_120, %dma_start3A_143, %dma_start3A_144] : memref<7x32x512xf32, #tpu.memory_space<vmem>> -> memref<1x16x512xf32, #tpu.memory_space<vmem>>
        %dma_start3A_146 = tpu.memref_squeeze %dma_start3A_145 : memref<1x16x512xf32, #tpu.memory_space<vmem>> -> memref<16x512xf32, #tpu.memory_space<vmem>>
        %dma_start3A_147 = tpu.memref_slice %arg5[%add3A_142] : memref<1024xi32, #tpu.memory_space<vmem>> -> memref<16xi32, #tpu.memory_space<vmem>>
        %dma_start3A_148 = arith.constant 0 : i32
        %dma_start3A_149 = arith.constant 0 : i32
        %dma_start3A_150 = tpu.memref_slice %arg2[%dma_start3A_148, %dma_start3A_149] : memref<100000x512xf32, #tpu.memory_space<hbm>> -> memref<100000x512xf32, #tpu.memory_space<hbm>>
        %dma_start3A_151 = tpu.memref_slice %arg7[%rem3A_120] : memref<7x!tpu.dma_semaphore, #tpu.memory_space<semaphore_mem>> -> memref<1x!tpu.dma_semaphore, #tpu.memory_space<semaphore_mem>>
        %dma_start3A_152 = tpu.memref_squeeze %dma_start3A_151 : memref<1x!tpu.dma_semaphore, #tpu.memory_space<semaphore_mem>> -> memref<!tpu.dma_semaphore, #tpu.memory_space<semaphore_mem>>
        tpu.enqueue_indirect_dma source(%dma_start3A_150 : memref<100000x512xf32, #tpu.memory_space<hbm>>) target(%dma_start3A_146 : memref<16x512xf32, #tpu.memory_space<vmem>>) offsets(%dma_start3A_147 : memref<16xi32, #tpu.memory_space<vmem>>) semaphore(%dma_start3A_152 : memref<!tpu.dma_semaphore, #tpu.memory_space<semaphore_mem>>)
      } else {
      }
      %scan3A_72 = arith.constant 0 : i32
      %scan3A_73 = arith.constant 16 : i32
      %scan3A_74 = arith.addi %scan3A_72, %scan3A_73 : i32
      %scan3A_75 = arith.constant 1 : i32
      scf.for %scan3A_119 = %scan3A_72 to %scan3A_74 step %scan3A_75  : i32 {
        %mul3A_120 = arith.constant 1 : i32
        %mul3A_121 = arith.muli %scan3A_119, %mul3A_120 : i32
        %add3A_122 = arith.constant 0 : i32
        %add3A_123 = arith.addi %add3A_122, %mul3A_121 : i32
        %get3A = arith.index_cast %rem3A_55 : i32 to index
        %get3A_124 = arith.index_cast %add3A_123 : i32 to index
        %get3A_125 = arith.constant 0 : index
        %get3A_126 = tpu.vector_load %arg6[%get3A, %get3A_124, %get3A_125] {strides = array<i32>} : memref<7x32x512xf32, #tpu.memory_space<vmem>>, vector<1x1x16xf32>,
        %get3A_127 = vector.shape_cast %get3A_126 : vector<1x1x16xf32> to vector<16xf32>
        %mul3A_128 = arith.constant 22.6274166 : f32
        %mul3A_129 = vector.broadcast %mul3A_128 : f32 to vector<16xf32>
        %mul3A_130 = arith.mulf %get3A_127, %mul3A_129 : vector<16xf32>
        %swap3A = arith.index_cast %rem3A_55 : i32 to index
        %swap3A_131 = arith.index_cast %add3A_123 : i32 to index
        %swap3A_132 = arith.constant 0 : index
        %swap3A_133 = tpu.vector_load %arg6[%swap3A, %swap3A_131, %swap3A_132] {strides = array<i32>} : memref<7x32x512xf32, #tpu.memory_space<vmem>>, vector<1x1x16xf32>,
        %swap3A_134 = vector.shape_cast %swap3A_133 : vector<1x1x16xf32> to vector<16xf32>
        %swap3A_135 = vector.shape_cast %mul3A_130 : vector<16xf32> to vector<1x1x16xf32>
        tpu.vector_store %arg6[%swap3A, %swap3A_131, %swap3A_132], %swap3A_135 {strides = array<i32>} : memref<7x32x512xf32, #tpu.memory_space<vmem>>, vector<1x1x16xf32>,
        %get3A_136 = arith.index_cast %rem3A_55 : i32 to index
        %get3A_137 = arith.index_cast %add3A_123 : i32 to index
        %get3A_138 = arith.constant 16 : index
        %get3A_139 = tpu.vector_load %arg6[%get3A_136, %get3A_137, %get3A_138] {strides = array<i32>} : memref<7x32x512xf32, #tpu.memory_space<vmem>>, vector<1x1x16xf32>,
        %get3A_140 = vector.shape_cast %get3A_139 : vector<1x1x16xf32> to vector<16xf32>
        %mul3A_141 = arith.constant 22.6274166 : f32
        %mul3A_142 = vector.broadcast %mul3A_141 : f32 to vector<16xf32>
        %mul3A_143 = arith.mulf %get3A_140, %mul3A_142 : vector<16xf32>
        %swap3A_144 = arith.index_cast %rem3A_55 : i32 to index
        %swap3A_145 = arith.index_cast %add3A_123 : i32 to index
        %swap3A_146 = arith.constant 16 : index
        %swap3A_147 = tpu.vector_load %arg6[%swap3A_144, %swap3A_145, %swap3A_146] {strides = array<i32>} : memref<7x32x512xf32, #tpu.memory_space<vmem>>, vector<1x1x16xf32>,
        %swap3A_148 = vector.shape_cast %swap3A_147 : vector<1x1x16xf32> to vector<16xf32>
        %swap3A_149 = vector.shape_cast %mul3A_143 : vector<16xf32> to vector<1x1x16xf32>
        tpu.vector_store %arg6[%swap3A_144, %swap3A_145, %swap3A_146], %swap3A_149 {strides = array<i32>} : memref<7x32x512xf32, #tpu.memory_space<vmem>>, vector<1x1x16xf32>,
        %get3A_150 = arith.index_cast %rem3A_55 : i32 to index
        %get3A_151 = arith.index_cast %add3A_123 : i32 to index
        %get3A_152 = arith.constant 32 : index
        %get3A_153 = tpu.vector_load %arg6[%get3A_150, %get3A_151, %get3A_152] {strides = array<i32>} : memref<7x32x512xf32, #tpu.memory_space<vmem>>, vector<1x1x16xf32>,
        %get3A_154 = vector.shape_cast %get3A_153 : vector<1x1x16xf32> to vector<16xf32>
        %mul3A_155 = arith.constant 22.6274166 : f32
        %mul3A_156 = vector.broadcast %mul3A_155 : f32 to vector<16xf32>
        %mul3A_157 = arith.mulf %get3A_154, %mul3A_156 : vector<16xf32>
        %swap3A_158 = arith.index_cast %rem3A_55 : i32 to index
        %swap3A_159 = arith.index_cast %add3A_123 : i32 to index
        %swap3A_160 = arith.constant 32 : index
        %swap3A_161 = tpu.vector_load %arg6[%swap3A_158, %swap3A_159, %swap3A_160] {strides = array<i32>} : memref<7x32x512xf32, #tpu.memory_space<vmem>>, vector<1x1x16xf32>,
        %swap3A_162 = vector.shape_cast %swap3A_161 : vector<1x1x16xf32> to vector<16xf32>
        %swap3A_163 = vector.shape_cast %mul3A_157 : vector<16xf32> to vector<1x1x16xf32>
        tpu.vector_store %arg6[%swap3A_158, %swap3A_159, %swap3A_160], %swap3A_163 {strides = array<i32>} : memref<7x32x512xf32, #tpu.memory_space<vmem>>, vector<1x1x16xf32>,
        %get3A_164 = arith.index_cast %rem3A_55 : i32 to index
        %get3A_165 = arith.index_cast %add3A_123 : i32 to index
        %get3A_166 = arith.constant 48 : index
        %get3A_167 = tpu.vector_load %arg6[%get3A_164, %get3A_165, %get3A_166] {strides = array<i32>} : memref<7x32x512xf32, #tpu.memory_space<vmem>>, vector<1x1x16xf32>,
        %get3A_168 = vector.shape_cast %get3A_167 : vector<1x1x16xf32> to vector<16xf32>
        %mul3A_169 = arith.constant 22.6274166 : f32
        %mul3A_170 = vector.broadcast %mul3A_169 : f32 to vector<16xf32>
        %mul3A_171 = arith.mulf %get3A_168, %mul3A_170 : vector<16xf32>
        %swap3A_172 = arith.index_cast %rem3A_55 : i32 to index
        %swap3A_173 = arith.index_cast %add3A_123 : i32 to index
        %swap3A_174 = arith.constant 48 : index
        %swap3A_175 = tpu.vector_load %arg6[%swap3A_172, %swap3A_173, %swap3A_174] {strides = array<i32>} : memref<7x32x512xf32, #tpu.memory_space<vmem>>, vector<1x1x16xf32>,
        %swap3A_176 = vector.shape_cast %swap3A_175 : vector<1x1x16xf32> to vector<16xf32>
        %swap3A_177 = vector.shape_cast %mul3A_171 : vector<16xf32> to vector<1x1x16xf32>
        tpu.vector_store %arg6[%swap3A_172, %swap3A_173, %swap3A_174], %swap3A_177 {strides = array<i32>} : memref<7x32x512xf32, #tpu.memory_space<vmem>>, vector<1x1x16xf32>,
        %get3A_178 = arith.index_cast %rem3A_55 : i32 to index
        %get3A_179 = arith.index_cast %add3A_123 : i32 to index
        %get3A_180 = arith.constant 64 : index
        %get3A_181 = tpu.vector_load %arg6[%get3A_178, %get3A_179, %get3A_180] {strides = array<i32>} : memref<7x32x512xf32, #tpu.memory_space<vmem>>, vector<1x1x16xf32>,
        %get3A_182 = vector.shape_cast %get3A_181 : vector<1x1x16xf32> to vector<16xf32>
        %mul3A_183 = arith.constant 22.6274166 : f32
        %mul3A_184 = vector.broadcast %mul3A_183 : f32 to vector<16xf32>
        %mul3A_185 = arith.mulf %get3A_182, %mul3A_184 : vector<16xf32>
        %swap3A_186 = arith.index_cast %rem3A_55 : i32 to index
        %swap3A_187 = arith.index_cast %add3A_123 : i32 to index
        %swap3A_188 = arith.constant 64 : index
        %swap3A_189 = tpu.vector_load %arg6[%swap3A_186, %swap3A_187, %swap3A_188] {strides = array<i32>} : memref<7x32x512xf32, #tpu.memory_space<vmem>>, vector<1x1x16xf32>,
        %swap3A_190 = vector.shape_cast %swap3A_189 : vector<1x1x16xf32> to vector<16xf32>
        %swap3A_191 = vector.shape_cast %mul3A_185 : vector<16xf32> to vector<1x1x16xf32>
        tpu.vector_store %arg6[%swap3A_186, %swap3A_187, %swap3A_188], %swap3A_191 {strides = array<i32>} : memref<7x32x512xf32, #tpu.memory_space<vmem>>, vector<1x1x16xf32>,
        %get3A_192 = arith.index_cast %rem3A_55 : i32 to index
        %get3A_193 = arith.index_cast %add3A_123 : i32 to index
        %get3A_194 = arith.constant 80 : index
        %get3A_195 = tpu.vector_load %arg6[%get3A_192, %get3A_193, %get3A_194] {strides = array<i32>} : memref<7x32x512xf32, #tpu.memory_space<vmem>>, vector<1x1x16xf32>,
        %get3A_196 = vector.shape_cast %get3A_195 : vector<1x1x16xf32> to vector<16xf32>
        %mul3A_197 = arith.constant 22.6274166 : f32
        %mul3A_198 = vector.broadcast %mul3A_197 : f32 to vector<16xf32>
        %mul3A_199 = arith.mulf %get3A_196, %mul3A_198 : vector<16xf32>
        %swap3A_200 = arith.index_cast %rem3A_55 : i32 to index
        %swap3A_201 = arith.index_cast %add3A_123 : i32 to index
        %swap3A_202 = arith.constant 80 : index
        %swap3A_203 = tpu.vector_load %arg6[%swap3A_200, %swap3A_201, %swap3A_202] {strides = array<i32>} : memref<7x32x512xf32, #tpu.memory_space<vmem>>, vector<1x1x16xf32>,
        %swap3A_204 = vector.shape_cast %swap3A_203 : vector<1x1x16xf32> to vector<16xf32>
        %swap3A_205 = vector.shape_cast %mul3A_199 : vector<16xf32> to vector<1x1x16xf32>
        tpu.vector_store %arg6[%swap3A_200, %swap3A_201, %swap3A_202], %swap3A_205 {strides = array<i32>} : memref<7x32x512xf32, #tpu.memory_space<vmem>>, vector<1x1x16xf32>,
        %get3A_206 = arith.index_cast %rem3A_55 : i32 to index
        %get3A_207 = arith.index_cast %add3A_123 : i32 to index
        %get3A_208 = arith.constant 96 : index
        %get3A_209 = tpu.vector_load %arg6[%get3A_206, %get3A_207, %get3A_208] {strides = array<i32>} : memref<7x32x512xf32, #tpu.memory_space<vmem>>, vector<1x1x16xf32>,
        %get3A_210 = vector.shape_cast %get3A_209 : vector<1x1x16xf32> to vector<16xf32>
        %mul3A_211 = arith.constant 22.6274166 : f32
        %mul3A_212 = vector.broadcast %mul3A_211 : f32 to vector<16xf32>
        %mul3A_213 = arith.mulf %get3A_210, %mul3A_212 : vector<16xf32>
        %swap3A_214 = arith.index_cast %rem3A_55 : i32 to index
        %swap3A_215 = arith.index_cast %add3A_123 : i32 to index
        %swap3A_216 = arith.constant 96 : index
        %swap3A_217 = tpu.vector_load %arg6[%swap3A_214, %swap3A_215, %swap3A_216] {strides = array<i32>} : memref<7x32x512xf32, #tpu.memory_space<vmem>>, vector<1x1x16xf32>,
        %swap3A_218 = vector.shape_cast %swap3A_217 : vector<1x1x16xf32> to vector<16xf32>
        %swap3A_219 = vector.shape_cast %mul3A_213 : vector<16xf32> to vector<1x1x16xf32>
        tpu.vector_store %arg6[%swap3A_214, %swap3A_215, %swap3A_216], %swap3A_219 {strides = array<i32>} : memref<7x32x512xf32, #tpu.memory_space<vmem>>, vector<1x1x16xf32>,
        %get3A_220 = arith.index_cast %rem3A_55 : i32 to index
        %get3A_221 = arith.index_cast %add3A_123 : i32 to index
        %get3A_222 = arith.constant 112 : index
        %get3A_223 = tpu.vector_load %arg6[%get3A_220, %get3A_221, %get3A_222] {strides = array<i32>} : memref<7x32x512xf32, #tpu.memory_space<vmem>>, vector<1x1x16xf32>,
        %get3A_224 = vector.shape_cast %get3A_223 : vector<1x1x16xf32> to vector<16xf32>
        %mul3A_225 = arith.constant 22.6274166 : f32
        %mul3A_226 = vector.broadcast %mul3A_225 : f32 to vector<16xf32>
        %mul3A_227 = arith.mulf %get3A_224, %mul3A_226 : vector<16xf32>
        %swap3A_228 = arith.index_cast %rem3A_55 : i32 to index
        %swap3A_229 = arith.index_cast %add3A_123 : i32 to index
        %swap3A_230 = arith.constant 112 : index
        %swap3A_231 = tpu.vector_load %arg6[%swap3A_228, %swap3A_229, %swap3A_230] {strides = array<i32>} : memref<7x32x512xf32, #tpu.memory_space<vmem>>, vector<1x1x16xf32>,
        %swap3A_232 = vector.shape_cast %swap3A_231 : vector<1x1x16xf32> to vector<16xf32>
        %swap3A_233 = vector.shape_cast %mul3A_227 : vector<16xf32> to vector<1x1x16xf32>
        tpu.vector_store %arg6[%swap3A_228, %swap3A_229, %swap3A_230], %swap3A_233 {strides = array<i32>} : memref<7x32x512xf32, #tpu.memory_space<vmem>>, vector<1x1x16xf32>,
        %get3A_234 = arith.index_cast %rem3A_55 : i32 to index
        %get3A_235 = arith.index_cast %add3A_123 : i32 to index
        %get3A_236 = arith.constant 128 : index
        %get3A_237 = tpu.vector_load %arg6[%get3A_234, %get3A_235, %get3A_236] {strides = array<i32>} : memref<7x32x512xf32, #tpu.memory_space<vmem>>, vector<1x1x16xf32>,
        %get3A_238 = vector.shape_cast %get3A_237 : vector<1x1x16xf32> to vector<16xf32>
        %mul3A_239 = arith.constant 22.6274166 : f32
        %mul3A_240 = vector.broadcast %mul3A_239 : f32 to vector<16xf32>
        %mul3A_241 = arith.mulf %get3A_238, %mul3A_240 : vector<16xf32>
        %swap3A_242 = arith.index_cast %rem3A_55 : i32 to index
        %swap3A_243 = arith.index_cast %add3A_123 : i32 to index
        %swap3A_244 = arith.constant 128 : index
        %swap3A_245 = tpu.vector_load %arg6[%swap3A_242, %swap3A_243, %swap3A_244] {strides = array<i32>} : memref<7x32x512xf32, #tpu.memory_space<vmem>>, vector<1x1x16xf32>,
        %swap3A_246 = vector.shape_cast %swap3A_245 : vector<1x1x16xf32> to vector<16xf32>
        %swap3A_247 = vector.shape_cast %mul3A_241 : vector<16xf32> to vector<1x1x16xf32>
        tpu.vector_store %arg6[%swap3A_242, %swap3A_243, %swap3A_244], %swap3A_247 {strides = array<i32>} : memref<7x32x512xf32, #tpu.memory_space<vmem>>, vector<1x1x16xf32>,
        %get3A_248 = arith.index_cast %rem3A_55 : i32 to index
        %get3A_249 = arith.index_cast %add3A_123 : i32 to index
        %get3A_250 = arith.constant 144 : index
        %get3A_251 = tpu.vector_load %arg6[%get3A_248, %get3A_249, %get3A_250] {strides = array<i32>} : memref<7x32x512xf32, #tpu.memory_space<vmem>>, vector<1x1x16xf32>,
        %get3A_252 = vector.shape_cast %get3A_251 : vector<1x1x16xf32> to vector<16xf32>
        %mul3A_253 = arith.constant 22.6274166 : f32
        %mul3A_254 = vector.broadcast %mul3A_253 : f32 to vector<16xf32>
        %mul3A_255 = arith.mulf %get3A_252, %mul3A_254 : vector<16xf32>
        %swap3A_256 = arith.index_cast %rem3A_55 : i32 to index
        %swap3A_257 = arith.index_cast %add3A_123 : i32 to index
        %swap3A_258 = arith.constant 144 : index
        %swap3A_259 = tpu.vector_load %arg6[%swap3A_256, %swap3A_257, %swap3A_258] {strides = array<i32>} : memref<7x32x512xf32, #tpu.memory_space<vmem>>, vector<1x1x16xf32>,
        %swap3A_260 = vector.shape_cast %swap3A_259 : vector<1x1x16xf32> to vector<16xf32>
        %swap3A_261 = vector.shape_cast %mul3A_255 : vector<16xf32> to vector<1x1x16xf32>
        tpu.vector_store %arg6[%swap3A_256, %swap3A_257, %swap3A_258], %swap3A_261 {strides = array<i32>} : memref<7x32x512xf32, #tpu.memory_space<vmem>>, vector<1x1x16xf32>,
        %get3A_262 = arith.index_cast %rem3A_55 : i32 to index
        %get3A_263 = arith.index_cast %add3A_123 : i32 to index
        %get3A_264 = arith.constant 160 : index
        %get3A_265 = tpu.vector_load %arg6[%get3A_262, %get3A_263, %get3A_264] {strides = array<i32>} : memref<7x32x512xf32, #tpu.memory_space<vmem>>, vector<1x1x16xf32>,
        %get3A_266 = vector.shape_cast %get3A_265 : vector<1x1x16xf32> to vector<16xf32>
        %mul3A_267 = arith.constant 22.6274166 : f32
        %mul3A_268 = vector.broadcast %mul3A_267 : f32 to vector<16xf32>
        %mul3A_269 = arith.mulf %get3A_266, %mul3A_268 : vector<16xf32>
        %swap3A_270 = arith.index_cast %rem3A_55 : i32 to index
        %swap3A_271 = arith.index_cast %add3A_123 : i32 to index
        %swap3A_272 = arith.constant 160 : index
        %swap3A_273 = tpu.vector_load %arg6[%swap3A_270, %swap3A_271, %swap3A_272] {strides = array<i32>} : memref<7x32x512xf32, #tpu.memory_space<vmem>>, vector<1x1x16xf32>,
        %swap3A_274 = vector.shape_cast %swap3A_273 : vector<1x1x16xf32> to vector<16xf32>
        %swap3A_275 = vector.shape_cast %mul3A_269 : vector<16xf32> to vector<1x1x16xf32>
        tpu.vector_store %arg6[%swap3A_270, %swap3A_271, %swap3A_272], %swap3A_275 {strides = array<i32>} : memref<7x32x512xf32, #tpu.memory_space<vmem>>, vector<1x1x16xf32>,
        %get3A_276 = arith.index_cast %rem3A_55 : i32 to index
        %get3A_277 = arith.index_cast %add3A_123 : i32 to index
        %get3A_278 = arith.constant 176 : index
        %get3A_279 = tpu.vector_load %arg6[%get3A_276, %get3A_277, %get3A_278] {strides = array<i32>} : memref<7x32x512xf32, #tpu.memory_space<vmem>>, vector<1x1x16xf32>,
        %get3A_280 = vector.shape_cast %get3A_279 : vector<1x1x16xf32> to vector<16xf32>
        %mul3A_281 = arith.constant 22.6274166 : f32
        %mul3A_282 = vector.broadcast %mul3A_281 : f32 to vector<16xf32>
        %mul3A_283 = arith.mulf %get3A_280, %mul3A_282 : vector<16xf32>
        %swap3A_284 = arith.index_cast %rem3A_55 : i32 to index
        %swap3A_285 = arith.index_cast %add3A_123 : i32 to index
        %swap3A_286 = arith.constant 176 : index
        %swap3A_287 = tpu.vector_load %arg6[%swap3A_284, %swap3A_285, %swap3A_286] {strides = array<i32>} : memref<7x32x512xf32, #tpu.memory_space<vmem>>, vector<1x1x16xf32>,
        %swap3A_288 = vector.shape_cast %swap3A_287 : vector<1x1x16xf32> to vector<16xf32>
        %swap3A_289 = vector.shape_cast %mul3A_283 : vector<16xf32> to vector<1x1x16xf32>
        tpu.vector_store %arg6[%swap3A_284, %swap3A_285, %swap3A_286], %swap3A_289 {strides = array<i32>} : memref<7x32x512xf32, #tpu.memory_space<vmem>>, vector<1x1x16xf32>,
        %get3A_290 = arith.index_cast %rem3A_55 : i32 to index
        %get3A_291 = arith.index_cast %add3A_123 : i32 to index
        %get3A_292 = arith.constant 192 : index
        %get3A_293 = tpu.vector_load %arg6[%get3A_290, %get3A_291, %get3A_292] {strides = array<i32>} : memref<7x32x512xf32, #tpu.memory_space<vmem>>, vector<1x1x16xf32>,
        %get3A_294 = vector.shape_cast %get3A_293 : vector<1x1x16xf32> to vector<16xf32>
        %mul3A_295 = arith.constant 22.6274166 : f32
        %mul3A_296 = vector.broadcast %mul3A_295 : f32 to vector<16xf32>
        %mul3A_297 = arith.mulf %get3A_294, %mul3A_296 : vector<16xf32>
        %swap3A_298 = arith.index_cast %rem3A_55 : i32 to index
        %swap3A_299 = arith.index_cast %add3A_123 : i32 to index
        %swap3A_300 = arith.constant 192 : index
        %swap3A_301 = tpu.vector_load %arg6[%swap3A_298, %swap3A_299, %swap3A_300] {strides = array<i32>} : memref<7x32x512xf32, #tpu.memory_space<vmem>>, vector<1x1x16xf32>,
        %swap3A_302 = vector.shape_cast %swap3A_301 : vector<1x1x16xf32> to vector<16xf32>
        %swap3A_303 = vector.shape_cast %mul3A_297 : vector<16xf32> to vector<1x1x16xf32>
        tpu.vector_store %arg6[%swap3A_298, %swap3A_299, %swap3A_300], %swap3A_303 {strides = array<i32>} : memref<7x32x512xf32, #tpu.memory_space<vmem>>, vector<1x1x16xf32>,
        %get3A_304 = arith.index_cast %rem3A_55 : i32 to index
        %get3A_305 = arith.index_cast %add3A_123 : i32 to index
        %get3A_306 = arith.constant 208 : index
        %get3A_307 = tpu.vector_load %arg6[%get3A_304, %get3A_305, %get3A_306] {strides = array<i32>} : memref<7x32x512xf32, #tpu.memory_space<vmem>>, vector<1x1x16xf32>,
        %get3A_308 = vector.shape_cast %get3A_307 : vector<1x1x16xf32> to vector<16xf32>
        %mul3A_309 = arith.constant 22.6274166 : f32
        %mul3A_310 = vector.broadcast %mul3A_309 : f32 to vector<16xf32>
        %mul3A_311 = arith.mulf %get3A_308, %mul3A_310 : vector<16xf32>
        %swap3A_312 = arith.index_cast %rem3A_55 : i32 to index
        %swap3A_313 = arith.index_cast %add3A_123 : i32 to index
        %swap3A_314 = arith.constant 208 : index
        %swap3A_315 = tpu.vector_load %arg6[%swap3A_312, %swap3A_313, %swap3A_314] {strides = array<i32>} : memref<7x32x512xf32, #tpu.memory_space<vmem>>, vector<1x1x16xf32>,
        %swap3A_316 = vector.shape_cast %swap3A_315 : vector<1x1x16xf32> to vector<16xf32>
        %swap3A_317 = vector.shape_cast %mul3A_311 : vector<16xf32> to vector<1x1x16xf32>
        tpu.vector_store %arg6[%swap3A_312, %swap3A_313, %swap3A_314], %swap3A_317 {strides = array<i32>} : memref<7x32x512xf32, #tpu.memory_space<vmem>>, vector<1x1x16xf32>,
        %get3A_318 = arith.index_cast %rem3A_55 : i32 to index
        %get3A_319 = arith.index_cast %add3A_123 : i32 to index
        %get3A_320 = arith.constant 224 : index
        %get3A_321 = tpu.vector_load %arg6[%get3A_318, %get3A_319, %get3A_320] {strides = array<i32>} : memref<7x32x512xf32, #tpu.memory_space<vmem>>, vector<1x1x16xf32>,
        %get3A_322 = vector.shape_cast %get3A_321 : vector<1x1x16xf32> to vector<16xf32>
        %mul3A_323 = arith.constant 22.6274166 : f32
        %mul3A_324 = vector.broadcast %mul3A_323 : f32 to vector<16xf32>
        %mul3A_325 = arith.mulf %get3A_322, %mul3A_324 : vector<16xf32>
        %swap3A_326 = arith.index_cast %rem3A_55 : i32 to index
        %swap3A_327 = arith.index_cast %add3A_123 : i32 to index
        %swap3A_328 = arith.constant 224 : index
        %swap3A_329 = tpu.vector_load %arg6[%swap3A_326, %swap3A_327, %swap3A_328] {strides = array<i32>} : memref<7x32x512xf32, #tpu.memory_space<vmem>>, vector<1x1x16xf32>,
        %swap3A_330 = vector.shape_cast %swap3A_329 : vector<1x1x16xf32> to vector<16xf32>
        %swap3A_331 = vector.shape_cast %mul3A_325 : vector<16xf32> to vector<1x1x16xf32>
        tpu.vector_store %arg6[%swap3A_326, %swap3A_327, %swap3A_328], %swap3A_331 {strides = array<i32>} : memref<7x32x512xf32, #tpu.memory_space<vmem>>, vector<1x1x16xf32>,
        %get3A_332 = arith.index_cast %rem3A_55 : i32 to index
        %get3A_333 = arith.index_cast %add3A_123 : i32 to index
        %get3A_334 = arith.constant 240 : index
        %get3A_335 = tpu.vector_load %arg6[%get3A_332, %get3A_333, %get3A_334] {strides = array<i32>} : memref<7x32x512xf32, #tpu.memory_space<vmem>>, vector<1x1x16xf32>,
        %get3A_336 = vector.shape_cast %get3A_335 : vector<1x1x16xf32> to vector<16xf32>
        %mul3A_337 = arith.constant 22.6274166 : f32
        %mul3A_338 = vector.broadcast %mul3A_337 : f32 to vector<16xf32>
        %mul3A_339 = arith.mulf %get3A_336, %mul3A_338 : vector<16xf32>
        %swap3A_340 = arith.index_cast %rem3A_55 : i32 to index
        %swap3A_341 = arith.index_cast %add3A_123 : i32 to index
        %swap3A_342 = arith.constant 240 : index
        %swap3A_343 = tpu.vector_load %arg6[%swap3A_340, %swap3A_341, %swap3A_342] {strides = array<i32>} : memref<7x32x512xf32, #tpu.memory_space<vmem>>, vector<1x1x16xf32>,
        %swap3A_344 = vector.shape_cast %swap3A_343 : vector<1x1x16xf32> to vector<16xf32>
        %swap3A_345 = vector.shape_cast %mul3A_339 : vector<16xf32> to vector<1x1x16xf32>
        tpu.vector_store %arg6[%swap3A_340, %swap3A_341, %swap3A_342], %swap3A_345 {strides = array<i32>} : memref<7x32x512xf32, #tpu.memory_space<vmem>>, vector<1x1x16xf32>,
        %get3A_346 = arith.index_cast %rem3A_55 : i32 to index
        %get3A_347 = arith.index_cast %add3A_123 : i32 to index
        %get3A_348 = arith.constant 256 : index
        %get3A_349 = tpu.vector_load %arg6[%get3A_346, %get3A_347, %get3A_348] {strides = array<i32>} : memref<7x32x512xf32, #tpu.memory_space<vmem>>, vector<1x1x16xf32>,
        %get3A_350 = vector.shape_cast %get3A_349 : vector<1x1x16xf32> to vector<16xf32>
        %mul3A_351 = arith.constant 22.6274166 : f32
        %mul3A_352 = vector.broadcast %mul3A_351 : f32 to vector<16xf32>
        %mul3A_353 = arith.mulf %get3A_350, %mul3A_352 : vector<16xf32>
        %swap3A_354 = arith.index_cast %rem3A_55 : i32 to index
        %swap3A_355 = arith.index_cast %add3A_123 : i32 to index
        %swap3A_356 = arith.constant 256 : index
        %swap3A_357 = tpu.vector_load %arg6[%swap3A_354, %swap3A_355, %swap3A_356] {strides = array<i32>} : memref<7x32x512xf32, #tpu.memory_space<vmem>>, vector<1x1x16xf32>,
        %swap3A_358 = vector.shape_cast %swap3A_357 : vector<1x1x16xf32> to vector<16xf32>
        %swap3A_359 = vector.shape_cast %mul3A_353 : vector<16xf32> to vector<1x1x16xf32>
        tpu.vector_store %arg6[%swap3A_354, %swap3A_355, %swap3A_356], %swap3A_359 {strides = array<i32>} : memref<7x32x512xf32, #tpu.memory_space<vmem>>, vector<1x1x16xf32>,
        %get3A_360 = arith.index_cast %rem3A_55 : i32 to index
        %get3A_361 = arith.index_cast %add3A_123 : i32 to index
        %get3A_362 = arith.constant 272 : index
        %get3A_363 = tpu.vector_load %arg6[%get3A_360, %get3A_361, %get3A_362] {strides = array<i32>} : memref<7x32x512xf32, #tpu.memory_space<vmem>>, vector<1x1x16xf32>,
        %get3A_364 = vector.shape_cast %get3A_363 : vector<1x1x16xf32> to vector<16xf32>
        %mul3A_365 = arith.constant 22.6274166 : f32
        %mul3A_366 = vector.broadcast %mul3A_365 : f32 to vector<16xf32>
        %mul3A_367 = arith.mulf %get3A_364, %mul3A_366 : vector<16xf32>
        %swap3A_368 = arith.index_cast %rem3A_55 : i32 to index
        %swap3A_369 = arith.index_cast %add3A_123 : i32 to index
        %swap3A_370 = arith.constant 272 : index
        %swap3A_371 = tpu.vector_load %arg6[%swap3A_368, %swap3A_369, %swap3A_370] {strides = array<i32>} : memref<7x32x512xf32, #tpu.memory_space<vmem>>, vector<1x1x16xf32>,
        %swap3A_372 = vector.shape_cast %swap3A_371 : vector<1x1x16xf32> to vector<16xf32>
        %swap3A_373 = vector.shape_cast %mul3A_367 : vector<16xf32> to vector<1x1x16xf32>
        tpu.vector_store %arg6[%swap3A_368, %swap3A_369, %swap3A_370], %swap3A_373 {strides = array<i32>} : memref<7x32x512xf32, #tpu.memory_space<vmem>>, vector<1x1x16xf32>,
        %get3A_374 = arith.index_cast %rem3A_55 : i32 to index
        %get3A_375 = arith.index_cast %add3A_123 : i32 to index
        %get3A_376 = arith.constant 288 : index
        %get3A_377 = tpu.vector_load %arg6[%get3A_374, %get3A_375, %get3A_376] {strides = array<i32>} : memref<7x32x512xf32, #tpu.memory_space<vmem>>, vector<1x1x16xf32>,
        %get3A_378 = vector.shape_cast %get3A_377 : vector<1x1x16xf32> to vector<16xf32>
        %mul3A_379 = arith.constant 22.6274166 : f32
        %mul3A_380 = vector.broadcast %mul3A_379 : f32 to vector<16xf32>
        %mul3A_381 = arith.mulf %get3A_378, %mul3A_380 : vector<16xf32>
        %swap3A_382 = arith.index_cast %rem3A_55 : i32 to index
        %swap3A_383 = arith.index_cast %add3A_123 : i32 to index
        %swap3A_384 = arith.constant 288 : index
        %swap3A_385 = tpu.vector_load %arg6[%swap3A_382, %swap3A_383, %swap3A_384] {strides = array<i32>} : memref<7x32x512xf32, #tpu.memory_space<vmem>>, vector<1x1x16xf32>,
        %swap3A_386 = vector.shape_cast %swap3A_385 : vector<1x1x16xf32> to vector<16xf32>
        %swap3A_387 = vector.shape_cast %mul3A_381 : vector<16xf32> to vector<1x1x16xf32>
        tpu.vector_store %arg6[%swap3A_382, %swap3A_383, %swap3A_384], %swap3A_387 {strides = array<i32>} : memref<7x32x512xf32, #tpu.memory_space<vmem>>, vector<1x1x16xf32>,
        %get3A_388 = arith.index_cast %rem3A_55 : i32 to index
        %get3A_389 = arith.index_cast %add3A_123 : i32 to index
        %get3A_390 = arith.constant 304 : index
        %get3A_391 = tpu.vector_load %arg6[%get3A_388, %get3A_389, %get3A_390] {strides = array<i32>} : memref<7x32x512xf32, #tpu.memory_space<vmem>>, vector<1x1x16xf32>,
        %get3A_392 = vector.shape_cast %get3A_391 : vector<1x1x16xf32> to vector<16xf32>
        %mul3A_393 = arith.constant 22.6274166 : f32
        %mul3A_394 = vector.broadcast %mul3A_393 : f32 to vector<16xf32>
        %mul3A_395 = arith.mulf %get3A_392, %mul3A_394 : vector<16xf32>
        %swap3A_396 = arith.index_cast %rem3A_55 : i32 to index
        %swap3A_397 = arith.index_cast %add3A_123 : i32 to index
        %swap3A_398 = arith.constant 304 : index
        %swap3A_399 = tpu.vector_load %arg6[%swap3A_396, %swap3A_397, %swap3A_398] {strides = array<i32>} : memref<7x32x512xf32, #tpu.memory_space<vmem>>, vector<1x1x16xf32>,
        %swap3A_400 = vector.shape_cast %swap3A_399 : vector<1x1x16xf32> to vector<16xf32>
        %swap3A_401 = vector.shape_cast %mul3A_395 : vector<16xf32> to vector<1x1x16xf32>
        tpu.vector_store %arg6[%swap3A_396, %swap3A_397, %swap3A_398], %swap3A_401 {strides = array<i32>} : memref<7x32x512xf32, #tpu.memory_space<vmem>>, vector<1x1x16xf32>,
        %get3A_402 = arith.index_cast %rem3A_55 : i32 to index
        %get3A_403 = arith.index_cast %add3A_123 : i32 to index
        %get3A_404 = arith.constant 320 : index
        %get3A_405 = tpu.vector_load %arg6[%get3A_402, %get3A_403, %get3A_404] {strides = array<i32>} : memref<7x32x512xf32, #tpu.memory_space<vmem>>, vector<1x1x16xf32>,
        %get3A_406 = vector.shape_cast %get3A_405 : vector<1x1x16xf32> to vector<16xf32>
        %mul3A_407 = arith.constant 22.6274166 : f32
        %mul3A_408 = vector.broadcast %mul3A_407 : f32 to vector<16xf32>
        %mul3A_409 = arith.mulf %get3A_406, %mul3A_408 : vector<16xf32>
        %swap3A_410 = arith.index_cast %rem3A_55 : i32 to index
        %swap3A_411 = arith.index_cast %add3A_123 : i32 to index
        %swap3A_412 = arith.constant 320 : index
        %swap3A_413 = tpu.vector_load %arg6[%swap3A_410, %swap3A_411, %swap3A_412] {strides = array<i32>} : memref<7x32x512xf32, #tpu.memory_space<vmem>>, vector<1x1x16xf32>,
        %swap3A_414 = vector.shape_cast %swap3A_413 : vector<1x1x16xf32> to vector<16xf32>
        %swap3A_415 = vector.shape_cast %mul3A_409 : vector<16xf32> to vector<1x1x16xf32>
        tpu.vector_store %arg6[%swap3A_410, %swap3A_411, %swap3A_412], %swap3A_415 {strides = array<i32>} : memref<7x32x512xf32, #tpu.memory_space<vmem>>, vector<1x1x16xf32>,
        %get3A_416 = arith.index_cast %rem3A_55 : i32 to index
        %get3A_417 = arith.index_cast %add3A_123 : i32 to index
        %get3A_418 = arith.constant 336 : index
        %get3A_419 = tpu.vector_load %arg6[%get3A_416, %get3A_417, %get3A_418] {strides = array<i32>} : memref<7x32x512xf32, #tpu.memory_space<vmem>>, vector<1x1x16xf32>,
        %get3A_420 = vector.shape_cast %get3A_419 : vector<1x1x16xf32> to vector<16xf32>
        %mul3A_421 = arith.constant 22.6274166 : f32
        %mul3A_422 = vector.broadcast %mul3A_421 : f32 to vector<16xf32>
        %mul3A_423 = arith.mulf %get3A_420, %mul3A_422 : vector<16xf32>
        %swap3A_424 = arith.index_cast %rem3A_55 : i32 to index
        %swap3A_425 = arith.index_cast %add3A_123 : i32 to index
        %swap3A_426 = arith.constant 336 : index
        %swap3A_427 = tpu.vector_load %arg6[%swap3A_424, %swap3A_425, %swap3A_426] {strides = array<i32>} : memref<7x32x512xf32, #tpu.memory_space<vmem>>, vector<1x1x16xf32>,
        %swap3A_428 = vector.shape_cast %swap3A_427 : vector<1x1x16xf32> to vector<16xf32>
        %swap3A_429 = vector.shape_cast %mul3A_423 : vector<16xf32> to vector<1x1x16xf32>
        tpu.vector_store %arg6[%swap3A_424, %swap3A_425, %swap3A_426], %swap3A_429 {strides = array<i32>} : memref<7x32x512xf32, #tpu.memory_space<vmem>>, vector<1x1x16xf32>,
        %get3A_430 = arith.index_cast %rem3A_55 : i32 to index
        %get3A_431 = arith.index_cast %add3A_123 : i32 to index
        %get3A_432 = arith.constant 352 : index
        %get3A_433 = tpu.vector_load %arg6[%get3A_430, %get3A_431, %get3A_432] {strides = array<i32>} : memref<7x32x512xf32, #tpu.memory_space<vmem>>, vector<1x1x16xf32>,
        %get3A_434 = vector.shape_cast %get3A_433 : vector<1x1x16xf32> to vector<16xf32>
        %mul3A_435 = arith.constant 22.6274166 : f32
        %mul3A_436 = vector.broadcast %mul3A_435 : f32 to vector<16xf32>
        %mul3A_437 = arith.mulf %get3A_434, %mul3A_436 : vector<16xf32>
        %swap3A_438 = arith.index_cast %rem3A_55 : i32 to index
        %swap3A_439 = arith.index_cast %add3A_123 : i32 to index
        %swap3A_440 = arith.constant 352 : index
        %swap3A_441 = tpu.vector_load %arg6[%swap3A_438, %swap3A_439, %swap3A_440] {strides = array<i32>} : memref<7x32x512xf32, #tpu.memory_space<vmem>>, vector<1x1x16xf32>,
        %swap3A_442 = vector.shape_cast %swap3A_441 : vector<1x1x16xf32> to vector<16xf32>
        %swap3A_443 = vector.shape_cast %mul3A_437 : vector<16xf32> to vector<1x1x16xf32>
        tpu.vector_store %arg6[%swap3A_438, %swap3A_439, %swap3A_440], %swap3A_443 {strides = array<i32>} : memref<7x32x512xf32, #tpu.memory_space<vmem>>, vector<1x1x16xf32>,
        %get3A_444 = arith.index_cast %rem3A_55 : i32 to index
        %get3A_445 = arith.index_cast %add3A_123 : i32 to index
        %get3A_446 = arith.constant 368 : index
        %get3A_447 = tpu.vector_load %arg6[%get3A_444, %get3A_445, %get3A_446] {strides = array<i32>} : memref<7x32x512xf32, #tpu.memory_space<vmem>>, vector<1x1x16xf32>,
        %get3A_448 = vector.shape_cast %get3A_447 : vector<1x1x16xf32> to vector<16xf32>
        %mul3A_449 = arith.constant 22.6274166 : f32
        %mul3A_450 = vector.broadcast %mul3A_449 : f32 to vector<16xf32>
        %mul3A_451 = arith.mulf %get3A_448, %mul3A_450 : vector<16xf32>
        %swap3A_452 = arith.index_cast %rem3A_55 : i32 to index
        %swap3A_453 = arith.index_cast %add3A_123 : i32 to index
        %swap3A_454 = arith.constant 368 : index
        %swap3A_455 = tpu.vector_load %arg6[%swap3A_452, %swap3A_453, %swap3A_454] {strides = array<i32>} : memref<7x32x512xf32, #tpu.memory_space<vmem>>, vector<1x1x16xf32>,
        %swap3A_456 = vector.shape_cast %swap3A_455 : vector<1x1x16xf32> to vector<16xf32>
        %swap3A_457 = vector.shape_cast %mul3A_451 : vector<16xf32> to vector<1x1x16xf32>
        tpu.vector_store %arg6[%swap3A_452, %swap3A_453, %swap3A_454], %swap3A_457 {strides = array<i32>} : memref<7x32x512xf32, #tpu.memory_space<vmem>>, vector<1x1x16xf32>,
        %get3A_458 = arith.index_cast %rem3A_55 : i32 to index
        %get3A_459 = arith.index_cast %add3A_123 : i32 to index
        %get3A_460 = arith.constant 384 : index
        %get3A_461 = tpu.vector_load %arg6[%get3A_458, %get3A_459, %get3A_460] {strides = array<i32>} : memref<7x32x512xf32, #tpu.memory_space<vmem>>, vector<1x1x16xf32>,
        %get3A_462 = vector.shape_cast %get3A_461 : vector<1x1x16xf32> to vector<16xf32>
        %mul3A_463 = arith.constant 22.6274166 : f32
        %mul3A_464 = vector.broadcast %mul3A_463 : f32 to vector<16xf32>
        %mul3A_465 = arith.mulf %get3A_462, %mul3A_464 : vector<16xf32>
        %swap3A_466 = arith.index_cast %rem3A_55 : i32 to index
        %swap3A_467 = arith.index_cast %add3A_123 : i32 to index
        %swap3A_468 = arith.constant 384 : index
        %swap3A_469 = tpu.vector_load %arg6[%swap3A_466, %swap3A_467, %swap3A_468] {strides = array<i32>} : memref<7x32x512xf32, #tpu.memory_space<vmem>>, vector<1x1x16xf32>,
        %swap3A_470 = vector.shape_cast %swap3A_469 : vector<1x1x16xf32> to vector<16xf32>
        %swap3A_471 = vector.shape_cast %mul3A_465 : vector<16xf32> to vector<1x1x16xf32>
        tpu.vector_store %arg6[%swap3A_466, %swap3A_467, %swap3A_468], %swap3A_471 {strides = array<i32>} : memref<7x32x512xf32, #tpu.memory_space<vmem>>, vector<1x1x16xf32>,
        %get3A_472 = arith.index_cast %rem3A_55 : i32 to index
        %get3A_473 = arith.index_cast %add3A_123 : i32 to index
        %get3A_474 = arith.constant 400 : index
        %get3A_475 = tpu.vector_load %arg6[%get3A_472, %get3A_473, %get3A_474] {strides = array<i32>} : memref<7x32x512xf32, #tpu.memory_space<vmem>>, vector<1x1x16xf32>,
        %get3A_476 = vector.shape_cast %get3A_475 : vector<1x1x16xf32> to vector<16xf32>
        %mul3A_477 = arith.constant 22.6274166 : f32
        %mul3A_478 = vector.broadcast %mul3A_477 : f32 to vector<16xf32>
        %mul3A_479 = arith.mulf %get3A_476, %mul3A_478 : vector<16xf32>
        %swap3A_480 = arith.index_cast %rem3A_55 : i32 to index
        %swap3A_481 = arith.index_cast %add3A_123 : i32 to index
        %swap3A_482 = arith.constant 400 : index
        %swap3A_483 = tpu.vector_load %arg6[%swap3A_480, %swap3A_481, %swap3A_482] {strides = array<i32>} : memref<7x32x512xf32, #tpu.memory_space<vmem>>, vector<1x1x16xf32>,
        %swap3A_484 = vector.shape_cast %swap3A_483 : vector<1x1x16xf32> to vector<16xf32>
        %swap3A_485 = vector.shape_cast %mul3A_479 : vector<16xf32> to vector<1x1x16xf32>
        tpu.vector_store %arg6[%swap3A_480, %swap3A_481, %swap3A_482], %swap3A_485 {strides = array<i32>} : memref<7x32x512xf32, #tpu.memory_space<vmem>>, vector<1x1x16xf32>,
        %get3A_486 = arith.index_cast %rem3A_55 : i32 to index
        %get3A_487 = arith.index_cast %add3A_123 : i32 to index
        %get3A_488 = arith.constant 416 : index
        %get3A_489 = tpu.vector_load %arg6[%get3A_486, %get3A_487, %get3A_488] {strides = array<i32>} : memref<7x32x512xf32, #tpu.memory_space<vmem>>, vector<1x1x16xf32>,
        %get3A_490 = vector.shape_cast %get3A_489 : vector<1x1x16xf32> to vector<16xf32>
        %mul3A_491 = arith.constant 22.6274166 : f32
        %mul3A_492 = vector.broadcast %mul3A_491 : f32 to vector<16xf32>
        %mul3A_493 = arith.mulf %get3A_490, %mul3A_492 : vector<16xf32>
        %swap3A_494 = arith.index_cast %rem3A_55 : i32 to index
        %swap3A_495 = arith.index_cast %add3A_123 : i32 to index
        %swap3A_496 = arith.constant 416 : index
        %swap3A_497 = tpu.vector_load %arg6[%swap3A_494, %swap3A_495, %swap3A_496] {strides = array<i32>} : memref<7x32x512xf32, #tpu.memory_space<vmem>>, vector<1x1x16xf32>,
        %swap3A_498 = vector.shape_cast %swap3A_497 : vector<1x1x16xf32> to vector<16xf32>
        %swap3A_499 = vector.shape_cast %mul3A_493 : vector<16xf32> to vector<1x1x16xf32>
        tpu.vector_store %arg6[%swap3A_494, %swap3A_495, %swap3A_496], %swap3A_499 {strides = array<i32>} : memref<7x32x512xf32, #tpu.memory_space<vmem>>, vector<1x1x16xf32>,
        %get3A_500 = arith.index_cast %rem3A_55 : i32 to index
        %get3A_501 = arith.index_cast %add3A_123 : i32 to index
        %get3A_502 = arith.constant 432 : index
        %get3A_503 = tpu.vector_load %arg6[%get3A_500, %get3A_501, %get3A_502] {strides = array<i32>} : memref<7x32x512xf32, #tpu.memory_space<vmem>>, vector<1x1x16xf32>,
        %get3A_504 = vector.shape_cast %get3A_503 : vector<1x1x16xf32> to vector<16xf32>
        %mul3A_505 = arith.constant 22.6274166 : f32
        %mul3A_506 = vector.broadcast %mul3A_505 : f32 to vector<16xf32>
        %mul3A_507 = arith.mulf %get3A_504, %mul3A_506 : vector<16xf32>
        %swap3A_508 = arith.index_cast %rem3A_55 : i32 to index
        %swap3A_509 = arith.index_cast %add3A_123 : i32 to index
        %swap3A_510 = arith.constant 432 : index
        %swap3A_511 = tpu.vector_load %arg6[%swap3A_508, %swap3A_509, %swap3A_510] {strides = array<i32>} : memref<7x32x512xf32, #tpu.memory_space<vmem>>, vector<1x1x16xf32>,
        %swap3A_512 = vector.shape_cast %swap3A_511 : vector<1x1x16xf32> to vector<16xf32>
        %swap3A_513 = vector.shape_cast %mul3A_507 : vector<16xf32> to vector<1x1x16xf32>
        tpu.vector_store %arg6[%swap3A_508, %swap3A_509, %swap3A_510], %swap3A_513 {strides = array<i32>} : memref<7x32x512xf32, #tpu.memory_space<vmem>>, vector<1x1x16xf32>,
        %get3A_514 = arith.index_cast %rem3A_55 : i32 to index
        %get3A_515 = arith.index_cast %add3A_123 : i32 to index
        %get3A_516 = arith.constant 448 : index
        %get3A_517 = tpu.vector_load %arg6[%get3A_514, %get3A_515, %get3A_516] {strides = array<i32>} : memref<7x32x512xf32, #tpu.memory_space<vmem>>, vector<1x1x16xf32>,
        %get3A_518 = vector.shape_cast %get3A_517 : vector<1x1x16xf32> to vector<16xf32>
        %mul3A_519 = arith.constant 22.6274166 : f32
        %mul3A_520 = vector.broadcast %mul3A_519 : f32 to vector<16xf32>
        %mul3A_521 = arith.mulf %get3A_518, %mul3A_520 : vector<16xf32>
        %swap3A_522 = arith.index_cast %rem3A_55 : i32 to index
        %swap3A_523 = arith.index_cast %add3A_123 : i32 to index
        %swap3A_524 = arith.constant 448 : index
        %swap3A_525 = tpu.vector_load %arg6[%swap3A_522, %swap3A_523, %swap3A_524] {strides = array<i32>} : memref<7x32x512xf32, #tpu.memory_space<vmem>>, vector<1x1x16xf32>,
        %swap3A_526 = vector.shape_cast %swap3A_525 : vector<1x1x16xf32> to vector<16xf32>
        %swap3A_527 = vector.shape_cast %mul3A_521 : vector<16xf32> to vector<1x1x16xf32>
        tpu.vector_store %arg6[%swap3A_522, %swap3A_523, %swap3A_524], %swap3A_527 {strides = array<i32>} : memref<7x32x512xf32, #tpu.memory_space<vmem>>, vector<1x1x16xf32>,
        %get3A_528 = arith.index_cast %rem3A_55 : i32 to index
        %get3A_529 = arith.index_cast %add3A_123 : i32 to index
        %get3A_530 = arith.constant 464 : index
        %get3A_531 = tpu.vector_load %arg6[%get3A_528, %get3A_529, %get3A_530] {strides = array<i32>} : memref<7x32x512xf32, #tpu.memory_space<vmem>>, vector<1x1x16xf32>,
        %get3A_532 = vector.shape_cast %get3A_531 : vector<1x1x16xf32> to vector<16xf32>
        %mul3A_533 = arith.constant 22.6274166 : f32
        %mul3A_534 = vector.broadcast %mul3A_533 : f32 to vector<16xf32>
        %mul3A_535 = arith.mulf %get3A_532, %mul3A_534 : vector<16xf32>
        %swap3A_536 = arith.index_cast %rem3A_55 : i32 to index
        %swap3A_537 = arith.index_cast %add3A_123 : i32 to index
        %swap3A_538 = arith.constant 464 : index
        %swap3A_539 = tpu.vector_load %arg6[%swap3A_536, %swap3A_537, %swap3A_538] {strides = array<i32>} : memref<7x32x512xf32, #tpu.memory_space<vmem>>, vector<1x1x16xf32>,
        %swap3A_540 = vector.shape_cast %swap3A_539 : vector<1x1x16xf32> to vector<16xf32>
        %swap3A_541 = vector.shape_cast %mul3A_535 : vector<16xf32> to vector<1x1x16xf32>
        tpu.vector_store %arg6[%swap3A_536, %swap3A_537, %swap3A_538], %swap3A_541 {strides = array<i32>} : memref<7x32x512xf32, #tpu.memory_space<vmem>>, vector<1x1x16xf32>,
        %get3A_542 = arith.index_cast %rem3A_55 : i32 to index
        %get3A_543 = arith.index_cast %add3A_123 : i32 to index
        %get3A_544 = arith.constant 480 : index
        %get3A_545 = tpu.vector_load %arg6[%get3A_542, %get3A_543, %get3A_544] {strides = array<i32>} : memref<7x32x512xf32, #tpu.memory_space<vmem>>, vector<1x1x16xf32>,
        %get3A_546 = vector.shape_cast %get3A_545 : vector<1x1x16xf32> to vector<16xf32>
        %mul3A_547 = arith.constant 22.6274166 : f32
        %mul3A_548 = vector.broadcast %mul3A_547 : f32 to vector<16xf32>
        %mul3A_549 = arith.mulf %get3A_546, %mul3A_548 : vector<16xf32>
        %swap3A_550 = arith.index_cast %rem3A_55 : i32 to index
        %swap3A_551 = arith.index_cast %add3A_123 : i32 to index
        %swap3A_552 = arith.constant 480 : index
        %swap3A_553 = tpu.vector_load %arg6[%swap3A_550, %swap3A_551, %swap3A_552] {strides = array<i32>} : memref<7x32x512xf32, #tpu.memory_space<vmem>>, vector<1x1x16xf32>,
        %swap3A_554 = vector.shape_cast %swap3A_553 : vector<1x1x16xf32> to vector<16xf32>
        %swap3A_555 = vector.shape_cast %mul3A_549 : vector<16xf32> to vector<1x1x16xf32>
        tpu.vector_store %arg6[%swap3A_550, %swap3A_551, %swap3A_552], %swap3A_555 {strides = array<i32>} : memref<7x32x512xf32, #tpu.memory_space<vmem>>, vector<1x1x16xf32>,
        %get3A_556 = arith.index_cast %rem3A_55 : i32 to index
        %get3A_557 = arith.index_cast %add3A_123 : i32 to index
        %get3A_558 = arith.constant 496 : index
        %get3A_559 = tpu.vector_load %arg6[%get3A_556, %get3A_557, %get3A_558] {strides = array<i32>} : memref<7x32x512xf32, #tpu.memory_space<vmem>>, vector<1x1x16xf32>,
        %get3A_560 = vector.shape_cast %get3A_559 : vector<1x1x16xf32> to vector<16xf32>
        %mul3A_561 = arith.constant 22.6274166 : f32
        %mul3A_562 = vector.broadcast %mul3A_561 : f32 to vector<16xf32>
        %mul3A_563 = arith.mulf %get3A_560, %mul3A_562 : vector<16xf32>
        %swap3A_564 = arith.index_cast %rem3A_55 : i32 to index
        %swap3A_565 = arith.index_cast %add3A_123 : i32 to index
        %swap3A_566 = arith.constant 496 : index
        %swap3A_567 = tpu.vector_load %arg6[%swap3A_564, %swap3A_565, %swap3A_566] {strides = array<i32>} : memref<7x32x512xf32, #tpu.memory_space<vmem>>, vector<1x1x16xf32>,
        %swap3A_568 = vector.shape_cast %swap3A_567 : vector<1x1x16xf32> to vector<16xf32>
        %swap3A_569 = vector.shape_cast %mul3A_563 : vector<16xf32> to vector<1x1x16xf32>
        tpu.vector_store %arg6[%swap3A_564, %swap3A_565, %swap3A_566], %swap3A_569 {strides = array<i32>} : memref<7x32x512xf32, #tpu.memory_space<vmem>>, vector<1x1x16xf32>,
      }
      %scan3A_76 = arith.constant 16 : i32
      %mul3A_77 = arith.constant 32 : i32
      %mul3A_78 = arith.muli %add3A_53, %mul3A_77 : i32
      %add3A_79 = arith.addi %mul3A_2, %mul3A_78 : i32
      %add3A_80 = arith.constant 0 : i32
      %add3A_81 = arith.addi %add3A_79, %add3A_80 : i32
      %dma_start3A = arith.constant 0 : i32
      %dma_start3A_82 = arith.constant 0 : i32
      %dma_start3A_83 = tpu.memref_slice %arg6[%rem3A_55, %dma_start3A, %dma_start3A_82] : memref<7x32x512xf32, #tpu.memory_space<vmem>> -> memref<1x16x512xf32, #tpu.memory_space<vmem>>
      %dma_start3A_84 = tpu.memref_squeeze %dma_start3A_83 : memref<1x16x512xf32, #tpu.memory_space<vmem>> -> memref<16x512xf32, #tpu.memory_space<vmem>>
      %dma_start3A_85 = arith.constant 0 : i32
      %dma_start3A_86 = tpu.memref_slice %arg4[%add3A_81, %dma_start3A_85] : memref<32768x512xf32, #tpu.memory_space<hbm>> -> memref<16x512xf32, #tpu.memory_space<hbm>>
      %dma_start3A_87 = tpu.memref_slice %arg8[%rem3A_55] : memref<7x!tpu.dma_semaphore, #tpu.memory_space<semaphore_mem>> -> memref<1x!tpu.dma_semaphore, #tpu.memory_space<semaphore_mem>>
      %dma_start3A_88 = tpu.memref_squeeze %dma_start3A_87 : memref<1x!tpu.dma_semaphore, #tpu.memory_space<semaphore_mem>> -> memref<!tpu.dma_semaphore, #tpu.memory_space<semaphore_mem>>
      %dma_start3A_89 = arith.constant 0 : i32
      %dma_start3A_90 = tpu.memref_slice %arg4[%add3A_81, %dma_start3A_89] : memref<32768x512xf32, #tpu.memory_space<hbm>> -> memref<16x512xf32, #tpu.memory_space<hbm>>
      %dma_start3A_91 = arith.constant 0 : i32
      %dma_start3A_92 = arith.constant 0 : i32
      %dma_start3A_93 = tpu.memref_slice %arg6[%rem3A_55, %dma_start3A_91, %dma_start3A_92] : memref<7x32x512xf32, #tpu.memory_space<vmem>> -> memref<1x16x512xf32, #tpu.memory_space<vmem>>
      %dma_start3A_94 = tpu.memref_squeeze %dma_start3A_93 : memref<1x16x512xf32, #tpu.memory_space<vmem>> -> memref<16x512xf32, #tpu.memory_space<vmem>>
      tpu.enqueue_dma source(%dma_start3A_94 : memref<16x512xf32, #tpu.memory_space<vmem>>) target(%dma_start3A_90 : memref<16x512xf32, #tpu.memory_space<hbm>>) target_semaphore(%dma_start3A_88 : memref<!tpu.dma_semaphore, #tpu.memory_space<semaphore_mem>>)
      %scan3A_95 = arith.constant 0 : i32
      %scan3A_96 = arith.constant 16 : i32
      %scan3A_97 = arith.addi %scan3A_95, %scan3A_96 : i32
      %scan3A_98 = arith.constant 1 : i32
      scf.for %scan3A_119 = %scan3A_95 to %scan3A_97 step %scan3A_98  : i32 {
        %mul3A_120 = arith.constant 1 : i32
        %mul3A_121 = arith.muli %scan3A_119, %mul3A_120 : i32
        %add3A_122 = arith.constant 16 : i32
        %add3A_123 = arith.addi %add3A_122, %mul3A_121 : i32
        %get3A = arith.index_cast %rem3A_55 : i32 to index
        %get3A_124 = arith.index_cast %add3A_123 : i32 to index
        %get3A_125 = arith.constant 0 : index
        %get3A_126 = tpu.vector_load %arg6[%get3A, %get3A_124, %get3A_125] {strides = array<i32>} : memref<7x32x512xf32, #tpu.memory_space<vmem>>, vector<1x1x16xf32>,
        %get3A_127 = vector.shape_cast %get3A_126 : vector<1x1x16xf32> to vector<16xf32>
        %mul3A_128 = arith.constant 22.6274166 : f32
        %mul3A_129 = vector.broadcast %mul3A_128 : f32 to vector<16xf32>
        %mul3A_130 = arith.mulf %get3A_127, %mul3A_129 : vector<16xf32>
        %swap3A = arith.index_cast %rem3A_55 : i32 to index
        %swap3A_131 = arith.index_cast %add3A_123 : i32 to index
        %swap3A_132 = arith.constant 0 : index
        %swap3A_133 = tpu.vector_load %arg6[%swap3A, %swap3A_131, %swap3A_132] {strides = array<i32>} : memref<7x32x512xf32, #tpu.memory_space<vmem>>, vector<1x1x16xf32>,
        %swap3A_134 = vector.shape_cast %swap3A_133 : vector<1x1x16xf32> to vector<16xf32>
        %swap3A_135 = vector.shape_cast %mul3A_130 : vector<16xf32> to vector<1x1x16xf32>
        tpu.vector_store %arg6[%swap3A, %swap3A_131, %swap3A_132], %swap3A_135 {strides = array<i32>} : memref<7x32x512xf32, #tpu.memory_space<vmem>>, vector<1x1x16xf32>,
        %get3A_136 = arith.index_cast %rem3A_55 : i32 to index
        %get3A_137 = arith.index_cast %add3A_123 : i32 to index
        %get3A_138 = arith.constant 16 : index
        %get3A_139 = tpu.vector_load %arg6[%get3A_136, %get3A_137, %get3A_138] {strides = array<i32>} : memref<7x32x512xf32, #tpu.memory_space<vmem>>, vector<1x1x16xf32>,
        %get3A_140 = vector.shape_cast %get3A_139 : vector<1x1x16xf32> to vector<16xf32>
        %mul3A_141 = arith.constant 22.6274166 : f32
        %mul3A_142 = vector.broadcast %mul3A_141 : f32 to vector<16xf32>
        %mul3A_143 = arith.mulf %get3A_140, %mul3A_142 : vector<16xf32>
        %swap3A_144 = arith.index_cast %rem3A_55 : i32 to index
        %swap3A_145 = arith.index_cast %add3A_123 : i32 to index
        %swap3A_146 = arith.constant 16 : index
        %swap3A_147 = tpu.vector_load %arg6[%swap3A_144, %swap3A_145, %swap3A_146] {strides = array<i32>} : memref<7x32x512xf32, #tpu.memory_space<vmem>>, vector<1x1x16xf32>,
        %swap3A_148 = vector.shape_cast %swap3A_147 : vector<1x1x16xf32> to vector<16xf32>
        %swap3A_149 = vector.shape_cast %mul3A_143 : vector<16xf32> to vector<1x1x16xf32>
        tpu.vector_store %arg6[%swap3A_144, %swap3A_145, %swap3A_146], %swap3A_149 {strides = array<i32>} : memref<7x32x512xf32, #tpu.memory_space<vmem>>, vector<1x1x16xf32>,
        %get3A_150 = arith.index_cast %rem3A_55 : i32 to index
        %get3A_151 = arith.index_cast %add3A_123 : i32 to index
        %get3A_152 = arith.constant 32 : index
        %get3A_153 = tpu.vector_load %arg6[%get3A_150, %get3A_151, %get3A_152] {strides = array<i32>} : memref<7x32x512xf32, #tpu.memory_space<vmem>>, vector<1x1x16xf32>,
        %get3A_154 = vector.shape_cast %get3A_153 : vector<1x1x16xf32> to vector<16xf32>
        %mul3A_155 = arith.constant 22.6274166 : f32
        %mul3A_156 = vector.broadcast %mul3A_155 : f32 to vector<16xf32>
        %mul3A_157 = arith.mulf %get3A_154, %mul3A_156 : vector<16xf32>
        %swap3A_158 = arith.index_cast %rem3A_55 : i32 to index
        %swap3A_159 = arith.index_cast %add3A_123 : i32 to index
        %swap3A_160 = arith.constant 32 : index
        %swap3A_161 = tpu.vector_load %arg6[%swap3A_158, %swap3A_159, %swap3A_160] {strides = array<i32>} : memref<7x32x512xf32, #tpu.memory_space<vmem>>, vector<1x1x16xf32>,
        %swap3A_162 = vector.shape_cast %swap3A_161 : vector<1x1x16xf32> to vector<16xf32>
        %swap3A_163 = vector.shape_cast %mul3A_157 : vector<16xf32> to vector<1x1x16xf32>
        tpu.vector_store %arg6[%swap3A_158, %swap3A_159, %swap3A_160], %swap3A_163 {strides = array<i32>} : memref<7x32x512xf32, #tpu.memory_space<vmem>>, vector<1x1x16xf32>,
        %get3A_164 = arith.index_cast %rem3A_55 : i32 to index
        %get3A_165 = arith.index_cast %add3A_123 : i32 to index
        %get3A_166 = arith.constant 48 : index
        %get3A_167 = tpu.vector_load %arg6[%get3A_164, %get3A_165, %get3A_166] {strides = array<i32>} : memref<7x32x512xf32, #tpu.memory_space<vmem>>, vector<1x1x16xf32>,
        %get3A_168 = vector.shape_cast %get3A_167 : vector<1x1x16xf32> to vector<16xf32>
        %mul3A_169 = arith.constant 22.6274166 : f32
        %mul3A_170 = vector.broadcast %mul3A_169 : f32 to vector<16xf32>
        %mul3A_171 = arith.mulf %get3A_168, %mul3A_170 : vector<16xf32>
        %swap3A_172 = arith.index_cast %rem3A_55 : i32 to index
        %swap3A_173 = arith.index_cast %add3A_123 : i32 to index
        %swap3A_174 = arith.constant 48 : index
        %swap3A_175 = tpu.vector_load %arg6[%swap3A_172, %swap3A_173, %swap3A_174] {strides = array<i32>} : memref<7x32x512xf32, #tpu.memory_space<vmem>>, vector<1x1x16xf32>,
        %swap3A_176 = vector.shape_cast %swap3A_175 : vector<1x1x16xf32> to vector<16xf32>
        %swap3A_177 = vector.shape_cast %mul3A_171 : vector<16xf32> to vector<1x1x16xf32>
        tpu.vector_store %arg6[%swap3A_172, %swap3A_173, %swap3A_174], %swap3A_177 {strides = array<i32>} : memref<7x32x512xf32, #tpu.memory_space<vmem>>, vector<1x1x16xf32>,
        %get3A_178 = arith.index_cast %rem3A_55 : i32 to index
        %get3A_179 = arith.index_cast %add3A_123 : i32 to index
        %get3A_180 = arith.constant 64 : index
        %get3A_181 = tpu.vector_load %arg6[%get3A_178, %get3A_179, %get3A_180] {strides = array<i32>} : memref<7x32x512xf32, #tpu.memory_space<vmem>>, vector<1x1x16xf32>,
        %get3A_182 = vector.shape_cast %get3A_181 : vector<1x1x16xf32> to vector<16xf32>
        %mul3A_183 = arith.constant 22.6274166 : f32
        %mul3A_184 = vector.broadcast %mul3A_183 : f32 to vector<16xf32>
        %mul3A_185 = arith.mulf %get3A_182, %mul3A_184 : vector<16xf32>
        %swap3A_186 = arith.index_cast %rem3A_55 : i32 to index
        %swap3A_187 = arith.index_cast %add3A_123 : i32 to index
        %swap3A_188 = arith.constant 64 : index
        %swap3A_189 = tpu.vector_load %arg6[%swap3A_186, %swap3A_187, %swap3A_188] {strides = array<i32>} : memref<7x32x512xf32, #tpu.memory_space<vmem>>, vector<1x1x16xf32>,
        %swap3A_190 = vector.shape_cast %swap3A_189 : vector<1x1x16xf32> to vector<16xf32>
        %swap3A_191 = vector.shape_cast %mul3A_185 : vector<16xf32> to vector<1x1x16xf32>
        tpu.vector_store %arg6[%swap3A_186, %swap3A_187, %swap3A_188], %swap3A_191 {strides = array<i32>} : memref<7x32x512xf32, #tpu.memory_space<vmem>>, vector<1x1x16xf32>,
        %get3A_192 = arith.index_cast %rem3A_55 : i32 to index
        %get3A_193 = arith.index_cast %add3A_123 : i32 to index
        %get3A_194 = arith.constant 80 : index
        %get3A_195 = tpu.vector_load %arg6[%get3A_192, %get3A_193, %get3A_194] {strides = array<i32>} : memref<7x32x512xf32, #tpu.memory_space<vmem>>, vector<1x1x16xf32>,
        %get3A_196 = vector.shape_cast %get3A_195 : vector<1x1x16xf32> to vector<16xf32>
        %mul3A_197 = arith.constant 22.6274166 : f32
        %mul3A_198 = vector.broadcast %mul3A_197 : f32 to vector<16xf32>
        %mul3A_199 = arith.mulf %get3A_196, %mul3A_198 : vector<16xf32>
        %swap3A_200 = arith.index_cast %rem3A_55 : i32 to index
        %swap3A_201 = arith.index_cast %add3A_123 : i32 to index
        %swap3A_202 = arith.constant 80 : index
        %swap3A_203 = tpu.vector_load %arg6[%swap3A_200, %swap3A_201, %swap3A_202] {strides = array<i32>} : memref<7x32x512xf32, #tpu.memory_space<vmem>>, vector<1x1x16xf32>,
        %swap3A_204 = vector.shape_cast %swap3A_203 : vector<1x1x16xf32> to vector<16xf32>
        %swap3A_205 = vector.shape_cast %mul3A_199 : vector<16xf32> to vector<1x1x16xf32>
        tpu.vector_store %arg6[%swap3A_200, %swap3A_201, %swap3A_202], %swap3A_205 {strides = array<i32>} : memref<7x32x512xf32, #tpu.memory_space<vmem>>, vector<1x1x16xf32>,
        %get3A_206 = arith.index_cast %rem3A_55 : i32 to index
        %get3A_207 = arith.index_cast %add3A_123 : i32 to index
        %get3A_208 = arith.constant 96 : index
        %get3A_209 = tpu.vector_load %arg6[%get3A_206, %get3A_207, %get3A_208] {strides = array<i32>} : memref<7x32x512xf32, #tpu.memory_space<vmem>>, vector<1x1x16xf32>,
        %get3A_210 = vector.shape_cast %get3A_209 : vector<1x1x16xf32> to vector<16xf32>
        %mul3A_211 = arith.constant 22.6274166 : f32
        %mul3A_212 = vector.broadcast %mul3A_211 : f32 to vector<16xf32>
        %mul3A_213 = arith.mulf %get3A_210, %mul3A_212 : vector<16xf32>
        %swap3A_214 = arith.index_cast %rem3A_55 : i32 to index
        %swap3A_215 = arith.index_cast %add3A_123 : i32 to index
        %swap3A_216 = arith.constant 96 : index
        %swap3A_217 = tpu.vector_load %arg6[%swap3A_214, %swap3A_215, %swap3A_216] {strides = array<i32>} : memref<7x32x512xf32, #tpu.memory_space<vmem>>, vector<1x1x16xf32>,
        %swap3A_218 = vector.shape_cast %swap3A_217 : vector<1x1x16xf32> to vector<16xf32>
        %swap3A_219 = vector.shape_cast %mul3A_213 : vector<16xf32> to vector<1x1x16xf32>
        tpu.vector_store %arg6[%swap3A_214, %swap3A_215, %swap3A_216], %swap3A_219 {strides = array<i32>} : memref<7x32x512xf32, #tpu.memory_space<vmem>>, vector<1x1x16xf32>,
        %get3A_220 = arith.index_cast %rem3A_55 : i32 to index
        %get3A_221 = arith.index_cast %add3A_123 : i32 to index
        %get3A_222 = arith.constant 112 : index
        %get3A_223 = tpu.vector_load %arg6[%get3A_220, %get3A_221, %get3A_222] {strides = array<i32>} : memref<7x32x512xf32, #tpu.memory_space<vmem>>, vector<1x1x16xf32>,
        %get3A_224 = vector.shape_cast %get3A_223 : vector<1x1x16xf32> to vector<16xf32>
        %mul3A_225 = arith.constant 22.6274166 : f32
        %mul3A_226 = vector.broadcast %mul3A_225 : f32 to vector<16xf32>
        %mul3A_227 = arith.mulf %get3A_224, %mul3A_226 : vector<16xf32>
        %swap3A_228 = arith.index_cast %rem3A_55 : i32 to index
        %swap3A_229 = arith.index_cast %add3A_123 : i32 to index
        %swap3A_230 = arith.constant 112 : index
        %swap3A_231 = tpu.vector_load %arg6[%swap3A_228, %swap3A_229, %swap3A_230] {strides = array<i32>} : memref<7x32x512xf32, #tpu.memory_space<vmem>>, vector<1x1x16xf32>,
        %swap3A_232 = vector.shape_cast %swap3A_231 : vector<1x1x16xf32> to vector<16xf32>
        %swap3A_233 = vector.shape_cast %mul3A_227 : vector<16xf32> to vector<1x1x16xf32>
        tpu.vector_store %arg6[%swap3A_228, %swap3A_229, %swap3A_230], %swap3A_233 {strides = array<i32>} : memref<7x32x512xf32, #tpu.memory_space<vmem>>, vector<1x1x16xf32>,
        %get3A_234 = arith.index_cast %rem3A_55 : i32 to index
        %get3A_235 = arith.index_cast %add3A_123 : i32 to index
        %get3A_236 = arith.constant 128 : index
        %get3A_237 = tpu.vector_load %arg6[%get3A_234, %get3A_235, %get3A_236] {strides = array<i32>} : memref<7x32x512xf32, #tpu.memory_space<vmem>>, vector<1x1x16xf32>,
        %get3A_238 = vector.shape_cast %get3A_237 : vector<1x1x16xf32> to vector<16xf32>
        %mul3A_239 = arith.constant 22.6274166 : f32
        %mul3A_240 = vector.broadcast %mul3A_239 : f32 to vector<16xf32>
        %mul3A_241 = arith.mulf %get3A_238, %mul3A_240 : vector<16xf32>
        %swap3A_242 = arith.index_cast %rem3A_55 : i32 to index
        %swap3A_243 = arith.index_cast %add3A_123 : i32 to index
        %swap3A_244 = arith.constant 128 : index
        %swap3A_245 = tpu.vector_load %arg6[%swap3A_242, %swap3A_243, %swap3A_244] {strides = array<i32>} : memref<7x32x512xf32, #tpu.memory_space<vmem>>, vector<1x1x16xf32>,
        %swap3A_246 = vector.shape_cast %swap3A_245 : vector<1x1x16xf32> to vector<16xf32>
        %swap3A_247 = vector.shape_cast %mul3A_241 : vector<16xf32> to vector<1x1x16xf32>
        tpu.vector_store %arg6[%swap3A_242, %swap3A_243, %swap3A_244], %swap3A_247 {strides = array<i32>} : memref<7x32x512xf32, #tpu.memory_space<vmem>>, vector<1x1x16xf32>,
        %get3A_248 = arith.index_cast %rem3A_55 : i32 to index
        %get3A_249 = arith.index_cast %add3A_123 : i32 to index
        %get3A_250 = arith.constant 144 : index
        %get3A_251 = tpu.vector_load %arg6[%get3A_248, %get3A_249, %get3A_250] {strides = array<i32>} : memref<7x32x512xf32, #tpu.memory_space<vmem>>, vector<1x1x16xf32>,
        %get3A_252 = vector.shape_cast %get3A_251 : vector<1x1x16xf32> to vector<16xf32>
        %mul3A_253 = arith.constant 22.6274166 : f32
        %mul3A_254 = vector.broadcast %mul3A_253 : f32 to vector<16xf32>
        %mul3A_255 = arith.mulf %get3A_252, %mul3A_254 : vector<16xf32>
        %swap3A_256 = arith.index_cast %rem3A_55 : i32 to index
        %swap3A_257 = arith.index_cast %add3A_123 : i32 to index
        %swap3A_258 = arith.constant 144 : index
        %swap3A_259 = tpu.vector_load %arg6[%swap3A_256, %swap3A_257, %swap3A_258] {strides = array<i32>} : memref<7x32x512xf32, #tpu.memory_space<vmem>>, vector<1x1x16xf32>,
        %swap3A_260 = vector.shape_cast %swap3A_259 : vector<1x1x16xf32> to vector<16xf32>
        %swap3A_261 = vector.shape_cast %mul3A_255 : vector<16xf32> to vector<1x1x16xf32>
        tpu.vector_store %arg6[%swap3A_256, %swap3A_257, %swap3A_258], %swap3A_261 {strides = array<i32>} : memref<7x32x512xf32, #tpu.memory_space<vmem>>, vector<1x1x16xf32>,
        %get3A_262 = arith.index_cast %rem3A_55 : i32 to index
        %get3A_263 = arith.index_cast %add3A_123 : i32 to index
        %get3A_264 = arith.constant 160 : index
        %get3A_265 = tpu.vector_load %arg6[%get3A_262, %get3A_263, %get3A_264] {strides = array<i32>} : memref<7x32x512xf32, #tpu.memory_space<vmem>>, vector<1x1x16xf32>,
        %get3A_266 = vector.shape_cast %get3A_265 : vector<1x1x16xf32> to vector<16xf32>
        %mul3A_267 = arith.constant 22.6274166 : f32
        %mul3A_268 = vector.broadcast %mul3A_267 : f32 to vector<16xf32>
        %mul3A_269 = arith.mulf %get3A_266, %mul3A_268 : vector<16xf32>
        %swap3A_270 = arith.index_cast %rem3A_55 : i32 to index
        %swap3A_271 = arith.index_cast %add3A_123 : i32 to index
        %swap3A_272 = arith.constant 160 : index
        %swap3A_273 = tpu.vector_load %arg6[%swap3A_270, %swap3A_271, %swap3A_272] {strides = array<i32>} : memref<7x32x512xf32, #tpu.memory_space<vmem>>, vector<1x1x16xf32>,
        %swap3A_274 = vector.shape_cast %swap3A_273 : vector<1x1x16xf32> to vector<16xf32>
        %swap3A_275 = vector.shape_cast %mul3A_269 : vector<16xf32> to vector<1x1x16xf32>
        tpu.vector_store %arg6[%swap3A_270, %swap3A_271, %swap3A_272], %swap3A_275 {strides = array<i32>} : memref<7x32x512xf32, #tpu.memory_space<vmem>>, vector<1x1x16xf32>,
        %get3A_276 = arith.index_cast %rem3A_55 : i32 to index
        %get3A_277 = arith.index_cast %add3A_123 : i32 to index
        %get3A_278 = arith.constant 176 : index
        %get3A_279 = tpu.vector_load %arg6[%get3A_276, %get3A_277, %get3A_278] {strides = array<i32>} : memref<7x32x512xf32, #tpu.memory_space<vmem>>, vector<1x1x16xf32>,
        %get3A_280 = vector.shape_cast %get3A_279 : vector<1x1x16xf32> to vector<16xf32>
        %mul3A_281 = arith.constant 22.6274166 : f32
        %mul3A_282 = vector.broadcast %mul3A_281 : f32 to vector<16xf32>
        %mul3A_283 = arith.mulf %get3A_280, %mul3A_282 : vector<16xf32>
        %swap3A_284 = arith.index_cast %rem3A_55 : i32 to index
        %swap3A_285 = arith.index_cast %add3A_123 : i32 to index
        %swap3A_286 = arith.constant 176 : index
        %swap3A_287 = tpu.vector_load %arg6[%swap3A_284, %swap3A_285, %swap3A_286] {strides = array<i32>} : memref<7x32x512xf32, #tpu.memory_space<vmem>>, vector<1x1x16xf32>,
        %swap3A_288 = vector.shape_cast %swap3A_287 : vector<1x1x16xf32> to vector<16xf32>
        %swap3A_289 = vector.shape_cast %mul3A_283 : vector<16xf32> to vector<1x1x16xf32>
        tpu.vector_store %arg6[%swap3A_284, %swap3A_285, %swap3A_286], %swap3A_289 {strides = array<i32>} : memref<7x32x512xf32, #tpu.memory_space<vmem>>, vector<1x1x16xf32>,
        %get3A_290 = arith.index_cast %rem3A_55 : i32 to index
        %get3A_291 = arith.index_cast %add3A_123 : i32 to index
        %get3A_292 = arith.constant 192 : index
        %get3A_293 = tpu.vector_load %arg6[%get3A_290, %get3A_291, %get3A_292] {strides = array<i32>} : memref<7x32x512xf32, #tpu.memory_space<vmem>>, vector<1x1x16xf32>,
        %get3A_294 = vector.shape_cast %get3A_293 : vector<1x1x16xf32> to vector<16xf32>
        %mul3A_295 = arith.constant 22.6274166 : f32
        %mul3A_296 = vector.broadcast %mul3A_295 : f32 to vector<16xf32>
        %mul3A_297 = arith.mulf %get3A_294, %mul3A_296 : vector<16xf32>
        %swap3A_298 = arith.index_cast %rem3A_55 : i32 to index
        %swap3A_299 = arith.index_cast %add3A_123 : i32 to index
        %swap3A_300 = arith.constant 192 : index
        %swap3A_301 = tpu.vector_load %arg6[%swap3A_298, %swap3A_299, %swap3A_300] {strides = array<i32>} : memref<7x32x512xf32, #tpu.memory_space<vmem>>, vector<1x1x16xf32>,
        %swap3A_302 = vector.shape_cast %swap3A_301 : vector<1x1x16xf32> to vector<16xf32>
        %swap3A_303 = vector.shape_cast %mul3A_297 : vector<16xf32> to vector<1x1x16xf32>
        tpu.vector_store %arg6[%swap3A_298, %swap3A_299, %swap3A_300], %swap3A_303 {strides = array<i32>} : memref<7x32x512xf32, #tpu.memory_space<vmem>>, vector<1x1x16xf32>,
        %get3A_304 = arith.index_cast %rem3A_55 : i32 to index
        %get3A_305 = arith.index_cast %add3A_123 : i32 to index
        %get3A_306 = arith.constant 208 : index
        %get3A_307 = tpu.vector_load %arg6[%get3A_304, %get3A_305, %get3A_306] {strides = array<i32>} : memref<7x32x512xf32, #tpu.memory_space<vmem>>, vector<1x1x16xf32>,
        %get3A_308 = vector.shape_cast %get3A_307 : vector<1x1x16xf32> to vector<16xf32>
        %mul3A_309 = arith.constant 22.6274166 : f32
        %mul3A_310 = vector.broadcast %mul3A_309 : f32 to vector<16xf32>
        %mul3A_311 = arith.mulf %get3A_308, %mul3A_310 : vector<16xf32>
        %swap3A_312 = arith.index_cast %rem3A_55 : i32 to index
        %swap3A_313 = arith.index_cast %add3A_123 : i32 to index
        %swap3A_314 = arith.constant 208 : index
        %swap3A_315 = tpu.vector_load %arg6[%swap3A_312, %swap3A_313, %swap3A_314] {strides = array<i32>} : memref<7x32x512xf32, #tpu.memory_space<vmem>>, vector<1x1x16xf32>,
        %swap3A_316 = vector.shape_cast %swap3A_315 : vector<1x1x16xf32> to vector<16xf32>
        %swap3A_317 = vector.shape_cast %mul3A_311 : vector<16xf32> to vector<1x1x16xf32>
        tpu.vector_store %arg6[%swap3A_312, %swap3A_313, %swap3A_314], %swap3A_317 {strides = array<i32>} : memref<7x32x512xf32, #tpu.memory_space<vmem>>, vector<1x1x16xf32>,
        %get3A_318 = arith.index_cast %rem3A_55 : i32 to index
        %get3A_319 = arith.index_cast %add3A_123 : i32 to index
        %get3A_320 = arith.constant 224 : index
        %get3A_321 = tpu.vector_load %arg6[%get3A_318, %get3A_319, %get3A_320] {strides = array<i32>} : memref<7x32x512xf32, #tpu.memory_space<vmem>>, vector<1x1x16xf32>,
        %get3A_322 = vector.shape_cast %get3A_321 : vector<1x1x16xf32> to vector<16xf32>
        %mul3A_323 = arith.constant 22.6274166 : f32
        %mul3A_324 = vector.broadcast %mul3A_323 : f32 to vector<16xf32>
        %mul3A_325 = arith.mulf %get3A_322, %mul3A_324 : vector<16xf32>
        %swap3A_326 = arith.index_cast %rem3A_55 : i32 to index
        %swap3A_327 = arith.index_cast %add3A_123 : i32 to index
        %swap3A_328 = arith.constant 224 : index
        %swap3A_329 = tpu.vector_load %arg6[%swap3A_326, %swap3A_327, %swap3A_328] {strides = array<i32>} : memref<7x32x512xf32, #tpu.memory_space<vmem>>, vector<1x1x16xf32>,
        %swap3A_330 = vector.shape_cast %swap3A_329 : vector<1x1x16xf32> to vector<16xf32>
        %swap3A_331 = vector.shape_cast %mul3A_325 : vector<16xf32> to vector<1x1x16xf32>
        tpu.vector_store %arg6[%swap3A_326, %swap3A_327, %swap3A_328], %swap3A_331 {strides = array<i32>} : memref<7x32x512xf32, #tpu.memory_space<vmem>>, vector<1x1x16xf32>,
        %get3A_332 = arith.index_cast %rem3A_55 : i32 to index
        %get3A_333 = arith.index_cast %add3A_123 : i32 to index
        %get3A_334 = arith.constant 240 : index
        %get3A_335 = tpu.vector_load %arg6[%get3A_332, %get3A_333, %get3A_334] {strides = array<i32>} : memref<7x32x512xf32, #tpu.memory_space<vmem>>, vector<1x1x16xf32>,
        %get3A_336 = vector.shape_cast %get3A_335 : vector<1x1x16xf32> to vector<16xf32>
        %mul3A_337 = arith.constant 22.6274166 : f32
        %mul3A_338 = vector.broadcast %mul3A_337 : f32 to vector<16xf32>
        %mul3A_339 = arith.mulf %get3A_336, %mul3A_338 : vector<16xf32>
        %swap3A_340 = arith.index_cast %rem3A_55 : i32 to index
        %swap3A_341 = arith.index_cast %add3A_123 : i32 to index
        %swap3A_342 = arith.constant 240 : index
        %swap3A_343 = tpu.vector_load %arg6[%swap3A_340, %swap3A_341, %swap3A_342] {strides = array<i32>} : memref<7x32x512xf32, #tpu.memory_space<vmem>>, vector<1x1x16xf32>,
        %swap3A_344 = vector.shape_cast %swap3A_343 : vector<1x1x16xf32> to vector<16xf32>
        %swap3A_345 = vector.shape_cast %mul3A_339 : vector<16xf32> to vector<1x1x16xf32>
        tpu.vector_store %arg6[%swap3A_340, %swap3A_341, %swap3A_342], %swap3A_345 {strides = array<i32>} : memref<7x32x512xf32, #tpu.memory_space<vmem>>, vector<1x1x16xf32>,
        %get3A_346 = arith.index_cast %rem3A_55 : i32 to index
        %get3A_347 = arith.index_cast %add3A_123 : i32 to index
        %get3A_348 = arith.constant 256 : index
        %get3A_349 = tpu.vector_load %arg6[%get3A_346, %get3A_347, %get3A_348] {strides = array<i32>} : memref<7x32x512xf32, #tpu.memory_space<vmem>>, vector<1x1x16xf32>,
        %get3A_350 = vector.shape_cast %get3A_349 : vector<1x1x16xf32> to vector<16xf32>
        %mul3A_351 = arith.constant 22.6274166 : f32
        %mul3A_352 = vector.broadcast %mul3A_351 : f32 to vector<16xf32>
        %mul3A_353 = arith.mulf %get3A_350, %mul3A_352 : vector<16xf32>
        %swap3A_354 = arith.index_cast %rem3A_55 : i32 to index
        %swap3A_355 = arith.index_cast %add3A_123 : i32 to index
        %swap3A_356 = arith.constant 256 : index
        %swap3A_357 = tpu.vector_load %arg6[%swap3A_354, %swap3A_355, %swap3A_356] {strides = array<i32>} : memref<7x32x512xf32, #tpu.memory_space<vmem>>, vector<1x1x16xf32>,
        %swap3A_358 = vector.shape_cast %swap3A_357 : vector<1x1x16xf32> to vector<16xf32>
        %swap3A_359 = vector.shape_cast %mul3A_353 : vector<16xf32> to vector<1x1x16xf32>
        tpu.vector_store %arg6[%swap3A_354, %swap3A_355, %swap3A_356], %swap3A_359 {strides = array<i32>} : memref<7x32x512xf32, #tpu.memory_space<vmem>>, vector<1x1x16xf32>,
        %get3A_360 = arith.index_cast %rem3A_55 : i32 to index
        %get3A_361 = arith.index_cast %add3A_123 : i32 to index
        %get3A_362 = arith.constant 272 : index
        %get3A_363 = tpu.vector_load %arg6[%get3A_360, %get3A_361, %get3A_362] {strides = array<i32>} : memref<7x32x512xf32, #tpu.memory_space<vmem>>, vector<1x1x16xf32>,
        %get3A_364 = vector.shape_cast %get3A_363 : vector<1x1x16xf32> to vector<16xf32>
        %mul3A_365 = arith.constant 22.6274166 : f32
        %mul3A_366 = vector.broadcast %mul3A_365 : f32 to vector<16xf32>
        %mul3A_367 = arith.mulf %get3A_364, %mul3A_366 : vector<16xf32>
        %swap3A_368 = arith.index_cast %rem3A_55 : i32 to index
        %swap3A_369 = arith.index_cast %add3A_123 : i32 to index
        %swap3A_370 = arith.constant 272 : index
        %swap3A_371 = tpu.vector_load %arg6[%swap3A_368, %swap3A_369, %swap3A_370] {strides = array<i32>} : memref<7x32x512xf32, #tpu.memory_space<vmem>>, vector<1x1x16xf32>,
        %swap3A_372 = vector.shape_cast %swap3A_371 : vector<1x1x16xf32> to vector<16xf32>
        %swap3A_373 = vector.shape_cast %mul3A_367 : vector<16xf32> to vector<1x1x16xf32>
        tpu.vector_store %arg6[%swap3A_368, %swap3A_369, %swap3A_370], %swap3A_373 {strides = array<i32>} : memref<7x32x512xf32, #tpu.memory_space<vmem>>, vector<1x1x16xf32>,
        %get3A_374 = arith.index_cast %rem3A_55 : i32 to index
        %get3A_375 = arith.index_cast %add3A_123 : i32 to index
        %get3A_376 = arith.constant 288 : index
        %get3A_377 = tpu.vector_load %arg6[%get3A_374, %get3A_375, %get3A_376] {strides = array<i32>} : memref<7x32x512xf32, #tpu.memory_space<vmem>>, vector<1x1x16xf32>,
        %get3A_378 = vector.shape_cast %get3A_377 : vector<1x1x16xf32> to vector<16xf32>
        %mul3A_379 = arith.constant 22.6274166 : f32
        %mul3A_380 = vector.broadcast %mul3A_379 : f32 to vector<16xf32>
        %mul3A_381 = arith.mulf %get3A_378, %mul3A_380 : vector<16xf32>
        %swap3A_382 = arith.index_cast %rem3A_55 : i32 to index
        %swap3A_383 = arith.index_cast %add3A_123 : i32 to index
        %swap3A_384 = arith.constant 288 : index
        %swap3A_385 = tpu.vector_load %arg6[%swap3A_382, %swap3A_383, %swap3A_384] {strides = array<i32>} : memref<7x32x512xf32, #tpu.memory_space<vmem>>, vector<1x1x16xf32>,
        %swap3A_386 = vector.shape_cast %swap3A_385 : vector<1x1x16xf32> to vector<16xf32>
        %swap3A_387 = vector.shape_cast %mul3A_381 : vector<16xf32> to vector<1x1x16xf32>
        tpu.vector_store %arg6[%swap3A_382, %swap3A_383, %swap3A_384], %swap3A_387 {strides = array<i32>} : memref<7x32x512xf32, #tpu.memory_space<vmem>>, vector<1x1x16xf32>,
        %get3A_388 = arith.index_cast %rem3A_55 : i32 to index
        %get3A_389 = arith.index_cast %add3A_123 : i32 to index
        %get3A_390 = arith.constant 304 : index
        %get3A_391 = tpu.vector_load %arg6[%get3A_388, %get3A_389, %get3A_390] {strides = array<i32>} : memref<7x32x512xf32, #tpu.memory_space<vmem>>, vector<1x1x16xf32>,
        %get3A_392 = vector.shape_cast %get3A_391 : vector<1x1x16xf32> to vector<16xf32>
        %mul3A_393 = arith.constant 22.6274166 : f32
        %mul3A_394 = vector.broadcast %mul3A_393 : f32 to vector<16xf32>
        %mul3A_395 = arith.mulf %get3A_392, %mul3A_394 : vector<16xf32>
        %swap3A_396 = arith.index_cast %rem3A_55 : i32 to index
        %swap3A_397 = arith.index_cast %add3A_123 : i32 to index
        %swap3A_398 = arith.constant 304 : index
        %swap3A_399 = tpu.vector_load %arg6[%swap3A_396, %swap3A_397, %swap3A_398] {strides = array<i32>} : memref<7x32x512xf32, #tpu.memory_space<vmem>>, vector<1x1x16xf32>,
        %swap3A_400 = vector.shape_cast %swap3A_399 : vector<1x1x16xf32> to vector<16xf32>
        %swap3A_401 = vector.shape_cast %mul3A_395 : vector<16xf32> to vector<1x1x16xf32>
        tpu.vector_store %arg6[%swap3A_396, %swap3A_397, %swap3A_398], %swap3A_401 {strides = array<i32>} : memref<7x32x512xf32, #tpu.memory_space<vmem>>, vector<1x1x16xf32>,
        %get3A_402 = arith.index_cast %rem3A_55 : i32 to index
        %get3A_403 = arith.index_cast %add3A_123 : i32 to index
        %get3A_404 = arith.constant 320 : index
        %get3A_405 = tpu.vector_load %arg6[%get3A_402, %get3A_403, %get3A_404] {strides = array<i32>} : memref<7x32x512xf32, #tpu.memory_space<vmem>>, vector<1x1x16xf32>,
        %get3A_406 = vector.shape_cast %get3A_405 : vector<1x1x16xf32> to vector<16xf32>
        %mul3A_407 = arith.constant 22.6274166 : f32
        %mul3A_408 = vector.broadcast %mul3A_407 : f32 to vector<16xf32>
        %mul3A_409 = arith.mulf %get3A_406, %mul3A_408 : vector<16xf32>
        %swap3A_410 = arith.index_cast %rem3A_55 : i32 to index
        %swap3A_411 = arith.index_cast %add3A_123 : i32 to index
        %swap3A_412 = arith.constant 320 : index
        %swap3A_413 = tpu.vector_load %arg6[%swap3A_410, %swap3A_411, %swap3A_412] {strides = array<i32>} : memref<7x32x512xf32, #tpu.memory_space<vmem>>, vector<1x1x16xf32>,
        %swap3A_414 = vector.shape_cast %swap3A_413 : vector<1x1x16xf32> to vector<16xf32>
        %swap3A_415 = vector.shape_cast %mul3A_409 : vector<16xf32> to vector<1x1x16xf32>
        tpu.vector_store %arg6[%swap3A_410, %swap3A_411, %swap3A_412], %swap3A_415 {strides = array<i32>} : memref<7x32x512xf32, #tpu.memory_space<vmem>>, vector<1x1x16xf32>,
        %get3A_416 = arith.index_cast %rem3A_55 : i32 to index
        %get3A_417 = arith.index_cast %add3A_123 : i32 to index
        %get3A_418 = arith.constant 336 : index
        %get3A_419 = tpu.vector_load %arg6[%get3A_416, %get3A_417, %get3A_418] {strides = array<i32>} : memref<7x32x512xf32, #tpu.memory_space<vmem>>, vector<1x1x16xf32>,
        %get3A_420 = vector.shape_cast %get3A_419 : vector<1x1x16xf32> to vector<16xf32>
        %mul3A_421 = arith.constant 22.6274166 : f32
        %mul3A_422 = vector.broadcast %mul3A_421 : f32 to vector<16xf32>
        %mul3A_423 = arith.mulf %get3A_420, %mul3A_422 : vector<16xf32>
        %swap3A_424 = arith.index_cast %rem3A_55 : i32 to index
        %swap3A_425 = arith.index_cast %add3A_123 : i32 to index
        %swap3A_426 = arith.constant 336 : index
        %swap3A_427 = tpu.vector_load %arg6[%swap3A_424, %swap3A_425, %swap3A_426] {strides = array<i32>} : memref<7x32x512xf32, #tpu.memory_space<vmem>>, vector<1x1x16xf32>,
        %swap3A_428 = vector.shape_cast %swap3A_427 : vector<1x1x16xf32> to vector<16xf32>
        %swap3A_429 = vector.shape_cast %mul3A_423 : vector<16xf32> to vector<1x1x16xf32>
        tpu.vector_store %arg6[%swap3A_424, %swap3A_425, %swap3A_426], %swap3A_429 {strides = array<i32>} : memref<7x32x512xf32, #tpu.memory_space<vmem>>, vector<1x1x16xf32>,
        %get3A_430 = arith.index_cast %rem3A_55 : i32 to index
        %get3A_431 = arith.index_cast %add3A_123 : i32 to index
        %get3A_432 = arith.constant 352 : index
        %get3A_433 = tpu.vector_load %arg6[%get3A_430, %get3A_431, %get3A_432] {strides = array<i32>} : memref<7x32x512xf32, #tpu.memory_space<vmem>>, vector<1x1x16xf32>,
        %get3A_434 = vector.shape_cast %get3A_433 : vector<1x1x16xf32> to vector<16xf32>
        %mul3A_435 = arith.constant 22.6274166 : f32
        %mul3A_436 = vector.broadcast %mul3A_435 : f32 to vector<16xf32>
        %mul3A_437 = arith.mulf %get3A_434, %mul3A_436 : vector<16xf32>
        %swap3A_438 = arith.index_cast %rem3A_55 : i32 to index
        %swap3A_439 = arith.index_cast %add3A_123 : i32 to index
        %swap3A_440 = arith.constant 352 : index
        %swap3A_441 = tpu.vector_load %arg6[%swap3A_438, %swap3A_439, %swap3A_440] {strides = array<i32>} : memref<7x32x512xf32, #tpu.memory_space<vmem>>, vector<1x1x16xf32>,
        %swap3A_442 = vector.shape_cast %swap3A_441 : vector<1x1x16xf32> to vector<16xf32>
        %swap3A_443 = vector.shape_cast %mul3A_437 : vector<16xf32> to vector<1x1x16xf32>
        tpu.vector_store %arg6[%swap3A_438, %swap3A_439, %swap3A_440], %swap3A_443 {strides = array<i32>} : memref<7x32x512xf32, #tpu.memory_space<vmem>>, vector<1x1x16xf32>,
        %get3A_444 = arith.index_cast %rem3A_55 : i32 to index
        %get3A_445 = arith.index_cast %add3A_123 : i32 to index
        %get3A_446 = arith.constant 368 : index
        %get3A_447 = tpu.vector_load %arg6[%get3A_444, %get3A_445, %get3A_446] {strides = array<i32>} : memref<7x32x512xf32, #tpu.memory_space<vmem>>, vector<1x1x16xf32>,
        %get3A_448 = vector.shape_cast %get3A_447 : vector<1x1x16xf32> to vector<16xf32>
        %mul3A_449 = arith.constant 22.6274166 : f32
        %mul3A_450 = vector.broadcast %mul3A_449 : f32 to vector<16xf32>
        %mul3A_451 = arith.mulf %get3A_448, %mul3A_450 : vector<16xf32>
        %swap3A_452 = arith.index_cast %rem3A_55 : i32 to index
        %swap3A_453 = arith.index_cast %add3A_123 : i32 to index
        %swap3A_454 = arith.constant 368 : index
        %swap3A_455 = tpu.vector_load %arg6[%swap3A_452, %swap3A_453, %swap3A_454] {strides = array<i32>} : memref<7x32x512xf32, #tpu.memory_space<vmem>>, vector<1x1x16xf32>,
        %swap3A_456 = vector.shape_cast %swap3A_455 : vector<1x1x16xf32> to vector<16xf32>
        %swap3A_457 = vector.shape_cast %mul3A_451 : vector<16xf32> to vector<1x1x16xf32>
        tpu.vector_store %arg6[%swap3A_452, %swap3A_453, %swap3A_454], %swap3A_457 {strides = array<i32>} : memref<7x32x512xf32, #tpu.memory_space<vmem>>, vector<1x1x16xf32>,
        %get3A_458 = arith.index_cast %rem3A_55 : i32 to index
        %get3A_459 = arith.index_cast %add3A_123 : i32 to index
        %get3A_460 = arith.constant 384 : index
        %get3A_461 = tpu.vector_load %arg6[%get3A_458, %get3A_459, %get3A_460] {strides = array<i32>} : memref<7x32x512xf32, #tpu.memory_space<vmem>>, vector<1x1x16xf32>,
        %get3A_462 = vector.shape_cast %get3A_461 : vector<1x1x16xf32> to vector<16xf32>
        %mul3A_463 = arith.constant 22.6274166 : f32
        %mul3A_464 = vector.broadcast %mul3A_463 : f32 to vector<16xf32>
        %mul3A_465 = arith.mulf %get3A_462, %mul3A_464 : vector<16xf32>
        %swap3A_466 = arith.index_cast %rem3A_55 : i32 to index
        %swap3A_467 = arith.index_cast %add3A_123 : i32 to index
        %swap3A_468 = arith.constant 384 : index
        %swap3A_469 = tpu.vector_load %arg6[%swap3A_466, %swap3A_467, %swap3A_468] {strides = array<i32>} : memref<7x32x512xf32, #tpu.memory_space<vmem>>, vector<1x1x16xf32>,
        %swap3A_470 = vector.shape_cast %swap3A_469 : vector<1x1x16xf32> to vector<16xf32>
        %swap3A_471 = vector.shape_cast %mul3A_465 : vector<16xf32> to vector<1x1x16xf32>
        tpu.vector_store %arg6[%swap3A_466, %swap3A_467, %swap3A_468], %swap3A_471 {strides = array<i32>} : memref<7x32x512xf32, #tpu.memory_space<vmem>>, vector<1x1x16xf32>,
        %get3A_472 = arith.index_cast %rem3A_55 : i32 to index
        %get3A_473 = arith.index_cast %add3A_123 : i32 to index
        %get3A_474 = arith.constant 400 : index
        %get3A_475 = tpu.vector_load %arg6[%get3A_472, %get3A_473, %get3A_474] {strides = array<i32>} : memref<7x32x512xf32, #tpu.memory_space<vmem>>, vector<1x1x16xf32>,
        %get3A_476 = vector.shape_cast %get3A_475 : vector<1x1x16xf32> to vector<16xf32>
        %mul3A_477 = arith.constant 22.6274166 : f32
        %mul3A_478 = vector.broadcast %mul3A_477 : f32 to vector<16xf32>
        %mul3A_479 = arith.mulf %get3A_476, %mul3A_478 : vector<16xf32>
        %swap3A_480 = arith.index_cast %rem3A_55 : i32 to index
        %swap3A_481 = arith.index_cast %add3A_123 : i32 to index
        %swap3A_482 = arith.constant 400 : index
        %swap3A_483 = tpu.vector_load %arg6[%swap3A_480, %swap3A_481, %swap3A_482] {strides = array<i32>} : memref<7x32x512xf32, #tpu.memory_space<vmem>>, vector<1x1x16xf32>,
        %swap3A_484 = vector.shape_cast %swap3A_483 : vector<1x1x16xf32> to vector<16xf32>
        %swap3A_485 = vector.shape_cast %mul3A_479 : vector<16xf32> to vector<1x1x16xf32>
        tpu.vector_store %arg6[%swap3A_480, %swap3A_481, %swap3A_482], %swap3A_485 {strides = array<i32>} : memref<7x32x512xf32, #tpu.memory_space<vmem>>, vector<1x1x16xf32>,
        %get3A_486 = arith.index_cast %rem3A_55 : i32 to index
        %get3A_487 = arith.index_cast %add3A_123 : i32 to index
        %get3A_488 = arith.constant 416 : index
        %get3A_489 = tpu.vector_load %arg6[%get3A_486, %get3A_487, %get3A_488] {strides = array<i32>} : memref<7x32x512xf32, #tpu.memory_space<vmem>>, vector<1x1x16xf32>,
        %get3A_490 = vector.shape_cast %get3A_489 : vector<1x1x16xf32> to vector<16xf32>
        %mul3A_491 = arith.constant 22.6274166 : f32
        %mul3A_492 = vector.broadcast %mul3A_491 : f32 to vector<16xf32>
        %mul3A_493 = arith.mulf %get3A_490, %mul3A_492 : vector<16xf32>
        %swap3A_494 = arith.index_cast %rem3A_55 : i32 to index
        %swap3A_495 = arith.index_cast %add3A_123 : i32 to index
        %swap3A_496 = arith.constant 416 : index
        %swap3A_497 = tpu.vector_load %arg6[%swap3A_494, %swap3A_495, %swap3A_496] {strides = array<i32>} : memref<7x32x512xf32, #tpu.memory_space<vmem>>, vector<1x1x16xf32>,
        %swap3A_498 = vector.shape_cast %swap3A_497 : vector<1x1x16xf32> to vector<16xf32>
        %swap3A_499 = vector.shape_cast %mul3A_493 : vector<16xf32> to vector<1x1x16xf32>
        tpu.vector_store %arg6[%swap3A_494, %swap3A_495, %swap3A_496], %swap3A_499 {strides = array<i32>} : memref<7x32x512xf32, #tpu.memory_space<vmem>>, vector<1x1x16xf32>,
        %get3A_500 = arith.index_cast %rem3A_55 : i32 to index
        %get3A_501 = arith.index_cast %add3A_123 : i32 to index
        %get3A_502 = arith.constant 432 : index
        %get3A_503 = tpu.vector_load %arg6[%get3A_500, %get3A_501, %get3A_502] {strides = array<i32>} : memref<7x32x512xf32, #tpu.memory_space<vmem>>, vector<1x1x16xf32>,
        %get3A_504 = vector.shape_cast %get3A_503 : vector<1x1x16xf32> to vector<16xf32>
        %mul3A_505 = arith.constant 22.6274166 : f32
        %mul3A_506 = vector.broadcast %mul3A_505 : f32 to vector<16xf32>
        %mul3A_507 = arith.mulf %get3A_504, %mul3A_506 : vector<16xf32>
        %swap3A_508 = arith.index_cast %rem3A_55 : i32 to index
        %swap3A_509 = arith.index_cast %add3A_123 : i32 to index
        %swap3A_510 = arith.constant 432 : index
        %swap3A_511 = tpu.vector_load %arg6[%swap3A_508, %swap3A_509, %swap3A_510] {strides = array<i32>} : memref<7x32x512xf32, #tpu.memory_space<vmem>>, vector<1x1x16xf32>,
        %swap3A_512 = vector.shape_cast %swap3A_511 : vector<1x1x16xf32> to vector<16xf32>
        %swap3A_513 = vector.shape_cast %mul3A_507 : vector<16xf32> to vector<1x1x16xf32>
        tpu.vector_store %arg6[%swap3A_508, %swap3A_509, %swap3A_510], %swap3A_513 {strides = array<i32>} : memref<7x32x512xf32, #tpu.memory_space<vmem>>, vector<1x1x16xf32>,
        %get3A_514 = arith.index_cast %rem3A_55 : i32 to index
        %get3A_515 = arith.index_cast %add3A_123 : i32 to index
        %get3A_516 = arith.constant 448 : index
        %get3A_517 = tpu.vector_load %arg6[%get3A_514, %get3A_515, %get3A_516] {strides = array<i32>} : memref<7x32x512xf32, #tpu.memory_space<vmem>>, vector<1x1x16xf32>,
        %get3A_518 = vector.shape_cast %get3A_517 : vector<1x1x16xf32> to vector<16xf32>
        %mul3A_519 = arith.constant 22.6274166 : f32
        %mul3A_520 = vector.broadcast %mul3A_519 : f32 to vector<16xf32>
        %mul3A_521 = arith.mulf %get3A_518, %mul3A_520 : vector<16xf32>
        %swap3A_522 = arith.index_cast %rem3A_55 : i32 to index
        %swap3A_523 = arith.index_cast %add3A_123 : i32 to index
        %swap3A_524 = arith.constant 448 : index
        %swap3A_525 = tpu.vector_load %arg6[%swap3A_522, %swap3A_523, %swap3A_524] {strides = array<i32>} : memref<7x32x512xf32, #tpu.memory_space<vmem>>, vector<1x1x16xf32>,
        %swap3A_526 = vector.shape_cast %swap3A_525 : vector<1x1x16xf32> to vector<16xf32>
        %swap3A_527 = vector.shape_cast %mul3A_521 : vector<16xf32> to vector<1x1x16xf32>
        tpu.vector_store %arg6[%swap3A_522, %swap3A_523, %swap3A_524], %swap3A_527 {strides = array<i32>} : memref<7x32x512xf32, #tpu.memory_space<vmem>>, vector<1x1x16xf32>,
        %get3A_528 = arith.index_cast %rem3A_55 : i32 to index
        %get3A_529 = arith.index_cast %add3A_123 : i32 to index
        %get3A_530 = arith.constant 464 : index
        %get3A_531 = tpu.vector_load %arg6[%get3A_528, %get3A_529, %get3A_530] {strides = array<i32>} : memref<7x32x512xf32, #tpu.memory_space<vmem>>, vector<1x1x16xf32>,
        %get3A_532 = vector.shape_cast %get3A_531 : vector<1x1x16xf32> to vector<16xf32>
        %mul3A_533 = arith.constant 22.6274166 : f32
        %mul3A_534 = vector.broadcast %mul3A_533 : f32 to vector<16xf32>
        %mul3A_535 = arith.mulf %get3A_532, %mul3A_534 : vector<16xf32>
        %swap3A_536 = arith.index_cast %rem3A_55 : i32 to index
        %swap3A_537 = arith.index_cast %add3A_123 : i32 to index
        %swap3A_538 = arith.constant 464 : index
        %swap3A_539 = tpu.vector_load %arg6[%swap3A_536, %swap3A_537, %swap3A_538] {strides = array<i32>} : memref<7x32x512xf32, #tpu.memory_space<vmem>>, vector<1x1x16xf32>,
        %swap3A_540 = vector.shape_cast %swap3A_539 : vector<1x1x16xf32> to vector<16xf32>
        %swap3A_541 = vector.shape_cast %mul3A_535 : vector<16xf32> to vector<1x1x16xf32>
        tpu.vector_store %arg6[%swap3A_536, %swap3A_537, %swap3A_538], %swap3A_541 {strides = array<i32>} : memref<7x32x512xf32, #tpu.memory_space<vmem>>, vector<1x1x16xf32>,
        %get3A_542 = arith.index_cast %rem3A_55 : i32 to index
        %get3A_543 = arith.index_cast %add3A_123 : i32 to index
        %get3A_544 = arith.constant 480 : index
        %get3A_545 = tpu.vector_load %arg6[%get3A_542, %get3A_543, %get3A_544] {strides = array<i32>} : memref<7x32x512xf32, #tpu.memory_space<vmem>>, vector<1x1x16xf32>,
        %get3A_546 = vector.shape_cast %get3A_545 : vector<1x1x16xf32> to vector<16xf32>
        %mul3A_547 = arith.constant 22.6274166 : f32
        %mul3A_548 = vector.broadcast %mul3A_547 : f32 to vector<16xf32>
        %mul3A_549 = arith.mulf %get3A_546, %mul3A_548 : vector<16xf32>
        %swap3A_550 = arith.index_cast %rem3A_55 : i32 to index
        %swap3A_551 = arith.index_cast %add3A_123 : i32 to index
        %swap3A_552 = arith.constant 480 : index
        %swap3A_553 = tpu.vector_load %arg6[%swap3A_550, %swap3A_551, %swap3A_552] {strides = array<i32>} : memref<7x32x512xf32, #tpu.memory_space<vmem>>, vector<1x1x16xf32>,
        %swap3A_554 = vector.shape_cast %swap3A_553 : vector<1x1x16xf32> to vector<16xf32>
        %swap3A_555 = vector.shape_cast %mul3A_549 : vector<16xf32> to vector<1x1x16xf32>
        tpu.vector_store %arg6[%swap3A_550, %swap3A_551, %swap3A_552], %swap3A_555 {strides = array<i32>} : memref<7x32x512xf32, #tpu.memory_space<vmem>>, vector<1x1x16xf32>,
        %get3A_556 = arith.index_cast %rem3A_55 : i32 to index
        %get3A_557 = arith.index_cast %add3A_123 : i32 to index
        %get3A_558 = arith.constant 496 : index
        %get3A_559 = tpu.vector_load %arg6[%get3A_556, %get3A_557, %get3A_558] {strides = array<i32>} : memref<7x32x512xf32, #tpu.memory_space<vmem>>, vector<1x1x16xf32>,
        %get3A_560 = vector.shape_cast %get3A_559 : vector<1x1x16xf32> to vector<16xf32>
        %mul3A_561 = arith.constant 22.6274166 : f32
        %mul3A_562 = vector.broadcast %mul3A_561 : f32 to vector<16xf32>
        %mul3A_563 = arith.mulf %get3A_560, %mul3A_562 : vector<16xf32>
        %swap3A_564 = arith.index_cast %rem3A_55 : i32 to index
        %swap3A_565 = arith.index_cast %add3A_123 : i32 to index
        %swap3A_566 = arith.constant 496 : index
        %swap3A_567 = tpu.vector_load %arg6[%swap3A_564, %swap3A_565, %swap3A_566] {strides = array<i32>} : memref<7x32x512xf32, #tpu.memory_space<vmem>>, vector<1x1x16xf32>,
        %swap3A_568 = vector.shape_cast %swap3A_567 : vector<1x1x16xf32> to vector<16xf32>
        %swap3A_569 = vector.shape_cast %mul3A_563 : vector<16xf32> to vector<1x1x16xf32>
        tpu.vector_store %arg6[%swap3A_564, %swap3A_565, %swap3A_566], %swap3A_569 {strides = array<i32>} : memref<7x32x512xf32, #tpu.memory_space<vmem>>, vector<1x1x16xf32>,
      }
      %scan3A_99 = arith.constant 16 : i32
      %mul3A_100 = arith.constant 32 : i32
      %mul3A_101 = arith.muli %add3A_53, %mul3A_100 : i32
      %add3A_102 = arith.addi %mul3A_2, %mul3A_101 : i32
      %add3A_103 = arith.constant 16 : i32
      %add3A_104 = arith.addi %add3A_102, %add3A_103 : i32
      %dma_start3A_105 = arith.constant 16 : i32
      %dma_start3A_106 = arith.constant 0 : i32
      %dma_start3A_107 = tpu.memref_slice %arg6[%rem3A_55, %dma_start3A_105, %dma_start3A_106] : memref<7x32x512xf32, #tpu.memory_space<vmem>> -> memref<1x16x512xf32, #tpu.memory_space<vmem>>
      %dma_start3A_108 = tpu.memref_squeeze %dma_start3A_107 : memref<1x16x512xf32, #tpu.memory_space<vmem>> -> memref<16x512xf32, #tpu.memory_space<vmem>>
      %dma_start3A_109 = arith.constant 0 : i32
      %dma_start3A_110 = tpu.memref_slice %arg4[%add3A_104, %dma_start3A_109] : memref<32768x512xf32, #tpu.memory_space<hbm>> -> memref<16x512xf32, #tpu.memory_space<hbm>>
      %dma_start3A_111 = tpu.memref_slice %arg8[%rem3A_55] : memref<7x!tpu.dma_semaphore, #tpu.memory_space<semaphore_mem>> -> memref<1x!tpu.dma_semaphore, #tpu.memory_space<semaphore_mem>>
      %dma_start3A_112 = tpu.memref_squeeze %dma_start3A_111 : memref<1x!tpu.dma_semaphore, #tpu.memory_space<semaphore_mem>> -> memref<!tpu.dma_semaphore, #tpu.memory_space<semaphore_mem>>
      %dma_start3A_113 = arith.constant 0 : i32
      %dma_start3A_114 = tpu.memref_slice %arg4[%add3A_104, %dma_start3A_113] : memref<32768x512xf32, #tpu.memory_space<hbm>> -> memref<16x512xf32, #tpu.memory_space<hbm>>
      %dma_start3A_115 = arith.constant 16 : i32
      %dma_start3A_116 = arith.constant 0 : i32
      %dma_start3A_117 = tpu.memref_slice %arg6[%rem3A_55, %dma_start3A_115, %dma_start3A_116] : memref<7x32x512xf32, #tpu.memory_space<vmem>> -> memref<1x16x512xf32, #tpu.memory_space<vmem>>
      %dma_start3A_118 = tpu.memref_squeeze %dma_start3A_117 : memref<1x16x512xf32, #tpu.memory_space<vmem>> -> memref<16x512xf32, #tpu.memory_space<vmem>>
      tpu.enqueue_dma source(%dma_start3A_118 : memref<16x512xf32, #tpu.memory_space<vmem>>) target(%dma_start3A_114 : memref<16x512xf32, #tpu.memory_space<hbm>>) target_semaphore(%dma_start3A_112 : memref<!tpu.dma_semaphore, #tpu.memory_space<semaphore_mem>>)
    }
    %scan3A_43 = arith.constant 32 : i32
    %scan3A_44 = arith.constant 0 : i32
    %scan3A_45 = arith.constant 7 : i32
    %scan3A_46 = arith.addi %scan3A_44, %scan3A_45 : i32
    %scan3A_47 = arith.constant 1 : i32
    scf.for %scan3A_49 = %scan3A_44 to %scan3A_46 step %scan3A_47  : i32 {
      %mul3A_50 = arith.constant 1 : i32
      %mul3A_51 = arith.muli %scan3A_49, %mul3A_50 : i32
      %add3A_52 = arith.constant 25 : i32
      %add3A_53 = arith.addi %add3A_52, %mul3A_51 : i32
      %rem3A_54 = arith.constant 7 : i32
      %rem3A_55 = arith.remsi %add3A_53, %rem3A_54 : i32
      %mul3A_56 = arith.constant 32 : i32
      %mul3A_57 = arith.muli %add3A_53, %mul3A_56 : i32
      %add3A_58 = arith.addi %mul3A_2, %mul3A_57 : i32
      %dma_wait3A = arith.constant 0 : i32
      %dma_wait3A_59 = arith.constant 0 : i32
      %dma_wait3A_60 = tpu.memref_slice %arg6[%rem3A_55, %dma_wait3A, %dma_wait3A_59] : memref<7x32x512xf32, #tpu.memory_space<vmem>> -> memref<1x32x512xf32, #tpu.memory_space<vmem>>
      %dma_wait3A_61 = tpu.memref_squeeze %dma_wait3A_60 : memref<1x32x512xf32, #tpu.memory_space<vmem>> -> memref<32x512xf32, #tpu.memory_space<vmem>>
      %dma_wait3A_62 = arith.constant 0 : i32
      %dma_wait3A_63 = tpu.memref_slice %arg4[%add3A_58, %dma_wait3A_62] : memref<32768x512xf32, #tpu.memory_space<hbm>> -> memref<32x512xf32, #tpu.memory_space<hbm>>
      %dma_wait3A_64 = tpu.memref_slice %arg8[%rem3A_55] : memref<7x!tpu.dma_semaphore, #tpu.memory_space<semaphore_mem>> -> memref<1x!tpu.dma_semaphore, #tpu.memory_space<semaphore_mem>>
      %dma_wait3A_65 = tpu.memref_squeeze %dma_wait3A_64 : memref<1x!tpu.dma_semaphore, #tpu.memory_space<semaphore_mem>> -> memref<!tpu.dma_semaphore, #tpu.memory_space<semaphore_mem>>
      %dma_wait3A_66 = arith.constant 0 : i32
      %dma_wait3A_67 = tpu.memref_slice %arg4[%add3A_58, %dma_wait3A_66] : memref<32768x512xf32, #tpu.memory_space<hbm>> -> memref<32x512xf32, #tpu.memory_space<hbm>>
      %dma_wait3A_68 = arith.constant 0 : i32
      %dma_wait3A_69 = arith.constant 0 : i32
      %dma_wait3A_70 = tpu.memref_slice %arg6[%rem3A_55, %dma_wait3A_68, %dma_wait3A_69] : memref<7x32x512xf32, #tpu.memory_space<vmem>> -> memref<1x32x512xf32, #tpu.memory_space<vmem>>
      %dma_wait3A_71 = tpu.memref_squeeze %dma_wait3A_70 : memref<1x32x512xf32, #tpu.memory_space<vmem>> -> memref<32x512xf32, #tpu.memory_space<vmem>>
      tpu.wait_dma2 semaphore(%dma_wait3A_65 : memref<!tpu.dma_semaphore, #tpu.memory_space<semaphore_mem>>) src(%dma_wait3A_71 : memref<32x512xf32, #tpu.memory_space<vmem>>) dst(%dma_wait3A_67 : memref<32x512xf32, #tpu.memory_space<hbm>>)
    }
    %scan3A_48 = arith.constant 7 : i32
    return
  }
}

</mosaic_0001>

<sc_bundles>
// kernel: kernel.3.cloned.1.call-start
scs
__scs_entry_jumppad:
0x0: {  	(pc) =	sbr.rel $0x88, $3  }
0x1: {  	(tag) =	ssettag $0x0;
	lr =	simm.s32 $0x1  }
0x2: {  	[smem:$0x3F9F] =	sst lr;
	_ =	strace $0xD0000000  }
0x3: {  	_ = 	snop  }
0x4: {  	_ = 	snop  }
0x5: {  	_ = 	snop  }
0x6: {  	_ = 	snop  }
0x7: {  	_ = 	snop  }
__scs_overlays_trampoline_lowered:
0x8: {  	[smem:$0x3FAE] =	sst s0  }
0x9: {  	[smem:$0x3FAF] =	sst s1  }
0xa: {  	[smem:$0x3FB0] =	sst s2  }
0xb: {  	[smem:$0x3FB1] =	sst s3  }
0xc: {  	[smem:$0x3FB2] =	sst s4  }
0xd: {  	[smem:$0x3FB3] =	sst s5  }
0xe: {  	[smem:$0x3FB4] =	sst s6  }
0xf: {  	[smem:$0x3FB5] =	sst s7  }
0x10: {  	[smem:$0x3FB6] =	sst s8  }
0x11: {  	[smem:$0x3FB7] =	sst s9;
	s0 =	simm.s32 @!p0 $0x0  }
0x12: {  	s1 =	sld [smem:$0x3F9D];
	s0 =	simm.s32 @p0 $0x1  }
0x13: {  	[smem:$0x3FB8] =	sst s0;
	s0 =	simm.s32 @!p1 $0x0  }
0x14: {  	s2 =	sld [smem:$0x3F9C];
	s0 =	simm.s32 @p1 $0x1  }
0x15: {  	[smem:$0x3FB9] =	sst s0;
	s0 =	simm.s32 @!p2 $0x0  }
0x16: {  	s3 =	sld [smem:$0x3FDB];
	s0 =	simm.s32 @p2 $0x1  }
0x17: {  	s4 =	simm.s32 $0x1BF5;
	[smem:$0x3FBB] =	sst s0  }
0x18: {  	s0 =	sld [smem:$0x3F9E];
	_ =	swait.ge [sflag:s4], $0x0  }
0x19: {  	s7 =	sld [smem:$0x3F9F]  }
0x1a: {  	s8 =	sadd.s32 $0xFFFFE003, lr  }
0x1b: {  	s9 =	sadd.s32 $0xFFFFFEF7, lr;
	s5 =	simm.s32 $0xFFFFFFFF;
	p2 =	slt.u32 s8, $0xFFFFF086  }
0x1c: {  	p1 =	slt.u32 s9, $0xF7A;
	s5 =	simm.s32 @!p2 $0x0  }
0x1d: {  	s5 =	simm.s32 @p1 $0x1;
	p0 =	seq.s32 s7, s2  }
0x1e: {  	s7 =	smul.u32 @!p0 $0xF7A, s2;
	p2 =	seq.s32 @!p0 s5, $0x0  }
0x1f: {  	s9 =	smul.u32 $0xF7A, s1;
	s8 =	simm.s32 @!p0 $0x1BF5;
	p2 =	por !p2, p0  }
0x20: {  	[sflag:s8] =	ssyncset.s32 @!p0 $0xFFFFF086;
	s6 =	sadd.s32 @!p0 s3, s7;
	s7 =	simm.s32 @!p0 $0x108  }
0x21: {  	s3 =	sadd.s32 s3, s9;
	s6 =	sadd.s32 @!p0 $0x88, s6;
	s7 =	simm.s32 @p2 $0x1082  }
0x22: {  	[simem:s7], [sflag:s8] =	dma.local @!p0 [hbm:s6], $0xF7A  }
0x23: {  	s9 =	sor.u32 $0xD0000000, s2;
	s6 =	simm.s32 $0x108;
	_ =	swait.ge @!p0 [sflag:s8], $0x0  }
0x24: {  	s3 =	sadd.s32 $0x88, s3;
	s6 =	simm.s32 @!p1 $0x1082;
	[sflag:s4] =	ssyncset.s32 $0xFFFFF086  }
0x25: {  	[simem:s6], [sflag:s4] =	dma.local [hbm:s3], $0xF7A  }
0x26: {  	[smem:$0x3F9F] =	sst s1;
	(tag) =	ssettag s2;
	_ =	strace s9  }
0x27: {  	s1 =	sld [smem:$0x3FAF]  }
0x28: {  	s2 =	sld [smem:$0x3FB0]  }
0x29: {  	s4 =	sld [smem:$0x3FB2]  }
0x2a: {  	p0 =	seq.s32 s5, $0x0;
	s5 =	sld [smem:$0x3FB3]  }
0x2b: {  	s6 =	sld [smem:$0x3FB4]  }
0x2c: {  	s7 =	sld [smem:$0x3FB5]  }
0x2d: {  	s3 =	simm.s32 $0x108;
	s8 =	sld [smem:$0x3FB6]  }
0x2e: {  	s3 =	simm.s32 @!p0 $0x1082;
	s9 =	sld [smem:$0x3FB7]  }
0x2f: {  	lr =	sadd.s32 s0, s3;
	s0 =	sld [smem:$0x3FAE]  }
0x30: {  	s3 =	sld [smem:$0x3FB1]  }
0x31: {  	[smem:$0x3FBA] =	sst s10  }
0x32: {  	s10 =	sld [smem:$0x3FB8];
	_ =	sdelay $0x3  }
0x33: {  	p0 =	seq.s32 s10, $0x1;
	s10 =	sld [smem:$0x3FBA];
	_ =	sdelay $0x3  }
0x34: {  	[smem:$0x3FBA] =	sst s10  }
0x35: {  	s10 =	sld [smem:$0x3FB9];
	_ =	sdelay $0x3  }
0x36: {  	p1 =	seq.s32 s10, $0x1;
	s10 =	sld [smem:$0x3FBA];
	_ =	sdelay $0x3  }
0x37: {  	[smem:$0x3FBA] =	sst s10  }
0x38: {  	s10 =	sld [smem:$0x3FBB]  }
0x39: {  	_ = 	snop;
	(pc) =	sbr.ind lr, $3  }
0x3a: {  	_ = 	snop  }
0x3b: {  	_ = 	snop  }
0x3c: {  	p2 =	seq.s32 s10, $0x1;
	s10 =	sld [smem:$0x3FBA]  }
0x3d: {  	_ =	shalt  }
0x3e: {  	_ =	shalt  }
0x3f: {  	_ =	shalt  }
0x40: {  	_ =	shalt  }
0x41: {  	_ =	shalt  }
0x42: {  	_ =	shalt  }
0x43: {  	_ =	shalt  }
0x44: {  	_ =	shalt  }
0x45: {  	_ =	shalt  }
0x46: {  	_ =	shalt  }
0x47: {  	_ =	shalt  }
0x48: {  	_ =	shalt  }
0x49: {  	_ =	shalt  }
0x4a: {  	_ =	shalt  }
0x4b: {  	_ =	shalt  }
0x4c: {  	_ =	shalt  }
0x4d: {  	_ =	shalt  }
0x4e: {  	_ =	shalt  }
0x4f: {  	_ =	shalt  }
0x50: {  	_ =	shalt  }
0x51: {  	_ =	shalt  }
0x52: {  	_ =	shalt  }
0x53: {  	_ =	shalt  }
0x54: {  	_ =	shalt  }
0x55: {  	_ =	shalt  }
0x56: {  	_ =	shalt  }
0x57: {  	_ =	shalt  }
0x58: {  	_ =	shalt  }
0x59: {  	_ =	shalt  }
0x5a: {  	_ =	shalt  }
0x5b: {  	_ =	shalt  }
0x5c: {  	_ =	shalt  }
0x5d: {  	_ =	shalt  }
0x5e: {  	_ =	shalt  }
0x5f: {  	_ =	shalt  }
0x60: {  	_ =	shalt  }
0x61: {  	_ =	shalt  }
0x62: {  	_ =	shalt  }
0x63: {  	_ =	shalt  }
0x64: {  	_ =	shalt  }
0x65: {  	_ =	shalt  }
0x66: {  	_ =	shalt  }
0x67: {  	_ =	shalt  }
0x68: {  	_ =	shalt  }
0x69: {  	_ =	shalt  }
0x6a: {  	_ =	shalt  }
0x6b: {  	_ =	shalt  }
0x6c: {  	_ =	shalt  }
0x6d: {  	_ =	shalt  }
0x6e: {  	_ =	shalt  }
0x6f: {  	_ =	shalt  }
0x70: {  	_ =	shalt  }
0x71: {  	_ =	shalt  }
0x72: {  	_ =	shalt  }
0x73: {  	_ =	shalt  }
0x74: {  	_ =	shalt  }
0x75: {  	_ =	shalt  }
0x76: {  	_ =	shalt  }
0x77: {  	_ =	shalt  }
0x78: {  	_ =	shalt  }
0x79: {  	_ =	shalt  }
0x7a: {  	_ =	shalt  }
0x7b: {  	_ =	shalt  }
0x7c: {  	_ =	shalt  }
0x7d: {  	_ =	shalt  }
0x7e: {  	_ =	shalt  }
0x7f: {  	_ =	shalt  }
0x80: {  	_ =	shalt  }
0x81: {  	_ =	shalt  }
0x82: {  	_ =	shalt  }
0x83: {  	_ =	shalt  }
0x84: {  	_ =	shalt  }
0x85: {  	_ =	shalt  }
0x86: {  	_ =	shalt  }
0x87: {  	_ =	shalt  }
.Lfunc_end0:
.L_simem_size_0:
called_computation_lowered:
.L_overlay_start_0:
0x88: {  	s2 =	sld [smem:$0x3FD9]  }
0x89: {  	s3 =	sld [smem:$0x3FFE];
	_ =	sdelay $0x1  }
0x8a: {  	s1 =	srdreg.scid  }
0x8b: {  	s0 =	sand.u32 $0x1, s1  }
0x8c: {  	s18 =	sshll.u32 s0, $0xA;
	s2 =	sadd.s32 s3, s2  }
0x8d: {  	s2 =	sadd.s32 s2, s18  }
0x8e: {  	[smem:$0x3FC6] =	sst s2  }
0x8f: {  	_ = 	snop  }
0x90: {  	s2 =	sld [smem:$0x3FC9]  }
0x91: {  	s19 =	sld [smem:$0x3FC8]  }
0x92: {  	s4 =	sld [smem:$0x3FD0];
	(tm) =	ssettm $0x1  }
0x93: {  	s5 =	sld [smem:$0x3FFB];
	_ =	sdelay $0x3  }
0x94: {  	_ =	strace s5  }
0x95: {  	s5 =	sld [smem:$0x3FFC];
	_ =	sdelay $0x3  }
0x96: {  	_ =	strace s5  }
0x97: {  	s5 =	sld [smem:$0x3FFD];
	_ =	sdelay $0x3  }
0x98: {  	_ =	strace s5  }
0x99: {  	_ =	strace $0x8FFFFFFF  }
0x9a: {  	s20 =	sld [smem:$0x3FDB];
	_ =	sdelay $0x1  }
0x9b: {  	s6 =	simm.s32 $_scs_section_size  }
0x9c: {  	s7 =	simm.s32 $_size__tile_overlayer_lowered;
	s8 =	simm.s32 $_tile_overlayer_lowered  }
0x9d: {  	s23 =	simm.s32 $0x1BFF;
	s22 =	sshll.u32 s8, $0x1;
	s5 =	sadd.s32 s6, s20  }
0x9e: {  	s9 =	simm.s32 $0x0;
	s21 =	sshll.u32 s7, $0x1;
	s7 =	sadd.s32 s22, s5  }
0x9f: {  	[timem:s9], [sflag:s23] =	dma.local [hbm:s7], s21  }
0xa0: {  	_ =	swait.ge [sflag:s23], s21  }
0xa1: {  	s6 =	ssub.s32 $0x0, s21;
	[sflag:s23] =	ssyncset.done $0x0  }
0xa2: {  	[sflag:s23] =	ssyncadd.s32 s6;
	_ =	sdelay $0x1  }
0xa3: {  	s24 =	simm.s32 $0x1B8B  }
0xa4: {  	_ =	swait.ge [sflag:s24], $0x1  }
0xa5: {  	[sflag:s24] =	ssyncset.done $0x0  }
0xa6: {  	s25 =	simm.s32 $0x1B8E;
	[sflag:s24] =	ssyncadd.s32 $0xFFFFFFFF  }
0xa7: {  	s26 =	simm.s32 $execute0_lowered;
	[smem:$0x3FD2] =	sst s25  }
0xa8: {  	s6 =	sshll.u32 s26, $0x1;
	_ =	strace $0x80000046;
	[dreg:$0x1] =	wrdreg $0xFFFFFFFF  }
0xa9: {  	s28 =	simm.s32 $_size_execute0_lowered;
	s5 =	sadd.s32 s5, s6;
	[dreg:$0x0] =	wrdreg $0x0  }
0xaa: {  	s6 =	sshll.u32 s28, $0x1;
	[dreg:$0x2] =	wrdreg s5  }
0xab: {  	[dreg:$0x3] =	wrdreg s6  }
0xac: {  	[dreg:$0x4] =	wrdreg $0xC0  }
0xad: {  	_ =	task [dreg:s9], $0x5FFFF  }
0xae: {  	[dreg:$0x1] =	wrdreg $0xFFFFFFFF  }
0xaf: {  	[dreg:$0x0] =	wrdreg $0x60  }
0xb0: {  	[dreg:$0x2] =	wrdreg s19  }
0xb1: {  	[dreg:$0x3] =	wrdreg s2  }
0xb2: {  	[dreg:$0x4] =	wrdreg s4  }
0xb3: {  	[dreg:$0x5] =	wrdreg $0x9  }
0xb4: {  	_ =	task.clear_ibuf [dreg:s9], $0x6FFFF;
	_ =	strace $0x90000046  }
0xb5: {  	s29 =	simm.s32 $0x9;
	_ =	strace $0x80000048  }
0xb6: {  	_ =	swait.ge [sflag:s29], $0x1  }
0xb7: {  	[sflag:s29] =	ssyncadd.s32 $0xFFFFFFFF  }
0xb8: {  	_ =	strace $0x90000048  }
0xb9: {  	_ =	sfence  }
0xba: {  	s30 =	sld [smem:$0x0];
	_ =	sdelay $0x2  }
0xbb: {  	s31 =	sshll.u32 s1, $0xD;
	s1 =	sshrl.u32 s1, $0x2  }
0xbc: {  	s3 =	sand.u32 $0x4000, s31;
	s1 =	sadd.s32 s1, s30  }
0xbd: {  	s0 =	sor.u32 s3, s0;
	s1 =	sshll.u32 s1, $0x11  }
0xbe: {  	s0 =	sor.u32 s1, s0  }
0xbf: {  	s0 =	sadd.s32 $0x8F2B, s0  }
0xc0: {  	[sflag:s0] =	ssyncadd.remote.s32 $0x1  }
0xc1: {  	_ =	sfence.sel $0xFFFF  }
0xc2: {  	[dreg:$0x0] =	wrdreg $0xFFFFFFFF;
	(pc) =	sbr.abs _section_cstart, $3  }
0xc3: {  	[dreg:$0x1] =	wrdreg $0xFFFFFFFF  }
0xc4: {  	_ =	task.clear_ibuf [dreg:s9], $0x2FFFF;
	_ =	strace $0x9FFFFFFF  }
0xc5: {  	(tm) =	ssettm $0x7FFFFFFF  }
tec
execute0_lowered:
.L_overlay_start_1:
0x0: {  	(tag) =	ssettag $0x1  }
0x1: {  	s1 =	rddreg [dreg:$0x0]  }
0x2: {  	s0 =	rddreg [dreg:$0x1]  }
0x3: {  	s3 =	rddreg [dreg:$0x2];
	s4 =	simm.s32 $0x0  }
0x4: {  	s2 =	srdreg.scid;
	s6 =	stileid.u32;
	s12 =	simm.s32 $0xF  }
0x5: {  	s28 =	simm.s32 $0x12400;
	s29 =	simm.s32 $0x12C00;
	s30 =	simm.s32 $0x13400  }
0x6: {  	s31 =	simm.s32 $0x13C00;
	s10 =	simm.s32 $0xE;
	s11 =	simm.s32 $0x8  }
0x7: {  	s13 =	simm.s32 $0x9;
	s14 =	simm.s32 $0xA;
	s15 =	simm.s32 $0xB  }
0x8: {  	s16 =	simm.s32 $0x0;
	[smem:$0x7FF] =	sst s4;
	s2 =	sand.u32 $0x1, s2  }
0x9: {  	s5 =	sshll.u32 s6, $0x1;
	s6 =	sshll.u32 s6, $0x2;
	_ =	strace $0x80000047  }
0xa: {  	s5 =	sor.u32 s2, s5;
	s2 =	ssub.s32 $0x2, s2;
	s6 =	sand.u32 $0x30, s6  }
0xb: {  	s7 =	sshll.u32 s5, $0x9;
	s8 =	sshrl.u32 s2, $0x1;
	s0 =	sadd.s32 s0, s6  }
0xc: {  	v2 =	vlaneseq.u32;
	s5 =	sshll.u32 s5, $0x10;
	s7 =	sand.u32 $0xE00, s7;
	s2 =	ssub.s32 s2, s8  }
0xd: {  	vm0 =	vmmov $0xffff;
	v1 =	vshrl.u32 v2, $0x3;
	s8 =	sadd.s32 $0x400, s3;
	s6 =	sadd.s32 s7, s0;
	s7 =	sadd.s32 $0x100, s1  }
0xe: {  	v0 =	vand.u32 $0x7, v2;
	v2 =	vor.u32 $0x8, v2;
	v1 =	vmul.u32 $0x8, v1;
	s9 =	smax.u32 s2, $0x1;
	s0 =	simm.s32 $0xC;
	s2 =	simm.s32 $0xD  }
.LBB2_1:
0xf: {  	s17 =	simm.s32 $0x80;
	s18 =	simm.s32 $0x200  }
0x10: {  	[tilespmem:s4], [sflag:$0xF] =	stream.strided.gather [hbm4b:s6+s17], $0x400, s18, s17, $0x38;
	[tilespmem:$0x1C400] =	vst v63  }
0x11: {  	_ =	swait.ge [sflag:s12], $0x400  }
0x12: {  	[sflag:s12] =	ssyncset.done $0x0  }
0x13: {  	[sflag:s12] =	ssyncadd.s32 $0xFFFFFC00  }
0x14: {  	v3 =	vld [tilespmem:$0x0];
	_ =	sdelay $0x4  }
0x15: {  	v4 =	vshll.u32 v3, $0x2  }
0x16: {  	v3 =	vand.u32 $0x7, v3;
	v4 =	vand.u32 $0xFFFFFFE0, v4  }
0x17: {  	v3 =	vor.u32 v3, v4  }
0x18: {  	v4 =	vperm.xlane v3, v0;
	_ =	sdelay $0x1  }
0x19: {  	v4 =	vadd.s32 v1, v4;
	_ =	sdelay $0x1  }
0x1a: {  	v3 =	vperm.xlane v3, v2;
	_ =	sdelay $0x1  }
0x1b: {  	s18 =	simm.s32 $0x400;
	v3 =	vadd.s32 v1, v3  }
0x1c: {  	[tilespmem:s18], [sflag:$0x1] =	stream.indirect_vreg.gather [hbm4b:s1+s4], $0x80, v4, vm0, $0xb8;
	[tilespmem:$0x1C400] =	vst v63  }
0x1d: {  	s19 =	simm.s32 $0xC00  }
0x1e: {  	[tilespmem:s19], [sflag:$0x1] =	stream.indirect_vreg.gather [hbm4b:s7+s4], $0x80, v4, vm0, $0xb8;
	[tilespmem:$0x1C400] =	vst v63  }
0x1f: {  	s20 =	simm.s32 $0x1400  }
0x20: {  	[tilespmem:s20], [sflag:$0x1] =	stream.indirect_vreg.gather [hbm4b:s1+s4], $0x80, v3, vm0, $0xb8;
	[tilespmem:$0x1C400] =	vst v63  }
0x21: {  	s21 =	simm.s32 $0x1C00  }
0x22: {  	[tilespmem:s21], [sflag:$0x1] =	stream.indirect_vreg.gather [hbm4b:s7+s4], $0x80, v3, vm0, $0xb8;
	[tilespmem:$0x1C400] =	vst v63  }
0x23: {  	v3 =	vld [tilespmem:$0x10];
	_ =	sdelay $0x4  }
0x24: {  	v55 =	vshll.u32 v3, $0x2  }
0x25: {  	v3 =	vand.u32 $0x7, v3;
	v4 =	vand.u32 $0xFFFFFFE0, v55  }
0x26: {  	v3 =	vor.u32 v3, v4  }
0x27: {  	v4 =	vperm.xlane v3, v0;
	_ =	sdelay $0x1  }
0x28: {  	v4 =	vadd.s32 v1, v4;
	_ =	sdelay $0x1  }
0x29: {  	v3 =	vperm.xlane v3, v2;
	_ =	sdelay $0x1  }
0x2a: {  	s22 =	simm.s32 $0x2400;
	v3 =	vadd.s32 v1, v3  }
0x2b: {  	[tilespmem:s22], [sflag:$0x1] =	stream.indirect_vreg.gather [hbm4b:s1+s4], $0x80, v4, vm0, $0xb8;
	[tilespmem:$0x1C400] =	vst v63  }
0x2c: {  	s23 =	simm.s32 $0x2C00  }
0x2d: {  	[tilespmem:s23], [sflag:$0x1] =	stream.indirect_vreg.gather [hbm4b:s7+s4], $0x80, v4, vm0, $0xb8;
	[tilespmem:$0x1C400] =	vst v63  }
0x2e: {  	s24 =	simm.s32 $0x3400  }
0x2f: {  	[tilespmem:s24], [sflag:$0x1] =	stream.indirect_vreg.gather [hbm4b:s1+s4], $0x80, v3, vm0, $0xb8;
	[tilespmem:$0x1C400] =	vst v63  }
0x30: {  	s25 =	simm.s32 $0x3C00  }
0x31: {  	[tilespmem:s25], [sflag:$0x1] =	stream.indirect_vreg.gather [hbm4b:s7+s4], $0x80, v3, vm0, $0xb8;
	[tilespmem:$0x1C400] =	vst v63  }
0x32: {  	v3 =	vld [tilespmem:$0x20];
	_ =	sdelay $0x4  }
0x33: {  	v56 =	vshll.u32 v3, $0x2  }
0x34: {  	v3 =	vand.u32 $0x7, v3;
	v4 =	vand.u32 $0xFFFFFFE0, v56  }
0x35: {  	v3 =	vor.u32 v3, v4  }
0x36: {  	v4 =	vperm.xlane v3, v0;
	_ =	sdelay $0x1  }
0x37: {  	v4 =	vadd.s32 v1, v4;
	_ =	sdelay $0x1  }
0x38: {  	v3 =	vperm.xlane v3, v2;
	_ =	sdelay $0x1  }
0x39: {  	s26 =	simm.s32 $0x4400;
	v3 =	vadd.s32 v1, v3  }
0x3a: {  	[tilespmem:s26], [sflag:$0x2] =	stream.indirect_vreg.gather [hbm4b:s1+s4], $0x80, v4, vm0, $0xb8;
	[tilespmem:$0x1C400] =	vst v63  }
0x3b: {  	s18 =	simm.s32 $0x4C00  }
0x3c: {  	[tilespmem:s18], [sflag:$0x2] =	stream.indirect_vreg.gather [hbm4b:s7+s4], $0x80, v4, vm0, $0xb8;
	[tilespmem:$0x1C400] =	vst v63  }
0x3d: {  	s19 =	simm.s32 $0x5400  }
0x3e: {  	[tilespmem:s19], [sflag:$0x2] =	stream.indirect_vreg.gather [hbm4b:s1+s4], $0x80, v3, vm0, $0xb8;
	[tilespmem:$0x1C400] =	vst v63  }
0x3f: {  	s20 =	simm.s32 $0x5C00  }
0x40: {  	[tilespmem:s20], [sflag:$0x2] =	stream.indirect_vreg.gather [hbm4b:s7+s4], $0x80, v3, vm0, $0xb8;
	[tilespmem:$0x1C400] =	vst v63  }
0x41: {  	v3 =	vld [tilespmem:$0x30];
	_ =	sdelay $0x4  }
0x42: {  	v57 =	vshll.u32 v3, $0x2  }
0x43: {  	v3 =	vand.u32 $0x7, v3;
	v4 =	vand.u32 $0xFFFFFFE0, v57  }
0x44: {  	v3 =	vor.u32 v3, v4  }
0x45: {  	v4 =	vperm.xlane v3, v0;
	_ =	sdelay $0x1  }
0x46: {  	v4 =	vadd.s32 v1, v4;
	_ =	sdelay $0x1  }
0x47: {  	v3 =	vperm.xlane v3, v2;
	_ =	sdelay $0x1  }
0x48: {  	s21 =	simm.s32 $0x6400;
	v3 =	vadd.s32 v1, v3  }
0x49: {  	[tilespmem:s21], [sflag:$0x2] =	stream.indirect_vreg.gather [hbm4b:s1+s4], $0x80, v4, vm0, $0xb8;
	[tilespmem:$0x1C400] =	vst v63  }
0x4a: {  	s22 =	simm.s32 $0x6C00  }
0x4b: {  	[tilespmem:s22], [sflag:$0x2] =	stream.indirect_vreg.gather [hbm4b:s7+s4], $0x80, v4, vm0, $0xb8;
	[tilespmem:$0x1C400] =	vst v63  }
0x4c: {  	s23 =	simm.s32 $0x7400  }
0x4d: {  	[tilespmem:s23], [sflag:$0x2] =	stream.indirect_vreg.gather [hbm4b:s1+s4], $0x80, v3, vm0, $0xb8;
	[tilespmem:$0x1C400] =	vst v63  }
0x4e: {  	s24 =	simm.s32 $0x7C00  }
0x4f: {  	[tilespmem:s24], [sflag:$0x2] =	stream.indirect_vreg.gather [hbm4b:s7+s4], $0x80, v3, vm0, $0xb8;
	[tilespmem:$0x1C400] =	vst v63  }
0x50: {  	v3 =	vld [tilespmem:$0x40];
	_ =	sdelay $0x4  }
0x51: {  	v58 =	vshll.u32 v3, $0x2  }
0x52: {  	v3 =	vand.u32 $0x7, v3;
	v4 =	vand.u32 $0xFFFFFFE0, v58  }
0x53: {  	v3 =	vor.u32 v3, v4  }
0x54: {  	v4 =	vperm.xlane v3, v0;
	_ =	sdelay $0x1  }
0x55: {  	v4 =	vadd.s32 v1, v4;
	_ =	sdelay $0x1  }
0x56: {  	v3 =	vperm.xlane v3, v2;
	_ =	sdelay $0x1  }
0x57: {  	s25 =	simm.s32 $0x8400;
	v3 =	vadd.s32 v1, v3  }
0x58: {  	[tilespmem:s25], [sflag:$0x3] =	stream.indirect_vreg.gather [hbm4b:s1+s4], $0x80, v4, vm0, $0xb8;
	[tilespmem:$0x1C400] =	vst v63  }
0x59: {  	s26 =	simm.s32 $0x8C00  }
0x5a: {  	[tilespmem:s26], [sflag:$0x3] =	stream.indirect_vreg.gather [hbm4b:s7+s4], $0x80, v4, vm0, $0xb8;
	[tilespmem:$0x1C400] =	vst v63  }
0x5b: {  	s18 =	simm.s32 $0x9400  }
0x5c: {  	[tilespmem:s18], [sflag:$0x3] =	stream.indirect_vreg.gather [hbm4b:s1+s4], $0x80, v3, vm0, $0xb8;
	[tilespmem:$0x1C400] =	vst v63  }
0x5d: {  	s19 =	simm.s32 $0x9C00  }
0x5e: {  	[tilespmem:s19], [sflag:$0x3] =	stream.indirect_vreg.gather [hbm4b:s7+s4], $0x80, v3, vm0, $0xb8;
	[tilespmem:$0x1C400] =	vst v63  }
0x5f: {  	v3 =	vld [tilespmem:$0x50];
	_ =	sdelay $0x4  }
0x60: {  	v59 =	vshll.u32 v3, $0x2  }
0x61: {  	v3 =	vand.u32 $0x7, v3;
	v4 =	vand.u32 $0xFFFFFFE0, v59  }
0x62: {  	v3 =	vor.u32 v3, v4  }
0x63: {  	v4 =	vperm.xlane v3, v0;
	_ =	sdelay $0x1  }
0x64: {  	v4 =	vadd.s32 v1, v4;
	_ =	sdelay $0x1  }
0x65: {  	v3 =	vperm.xlane v3, v2;
	_ =	sdelay $0x1  }
0x66: {  	s20 =	simm.s32 $0xA400;
	v3 =	vadd.s32 v1, v3  }
0x67: {  	[tilespmem:s20], [sflag:$0x3] =	stream.indirect_vreg.gather [hbm4b:s1+s4], $0x80, v4, vm0, $0xb8;
	[tilespmem:$0x1C400] =	vst v63  }
0x68: {  	s21 =	simm.s32 $0xAC00  }
0x69: {  	[tilespmem:s21], [sflag:$0x3] =	stream.indirect_vreg.gather [hbm4b:s7+s4], $0x80, v4, vm0, $0xb8;
	[tilespmem:$0x1C400] =	vst v63  }
0x6a: {  	s22 =	simm.s32 $0xB400  }
0x6b: {  	[tilespmem:s22], [sflag:$0x3] =	stream.indirect_vreg.gather [hbm4b:s1+s4], $0x80, v3, vm0, $0xb8;
	[tilespmem:$0x1C400] =	vst v63  }
0x6c: {  	s23 =	simm.s32 $0xBC00  }
0x6d: {  	[tilespmem:s23], [sflag:$0x3] =	stream.indirect_vreg.gather [hbm4b:s7+s4], $0x80, v3, vm0, $0xb8;
	[tilespmem:$0x1C400] =	vst v63  }
0x6e: {  	v3 =	vld [tilespmem:$0x60];
	_ =	sdelay $0x4  }
0x6f: {  	v60 =	vshll.u32 v3, $0x2  }
0x70: {  	v3 =	vand.u32 $0x7, v3;
	v4 =	vand.u32 $0xFFFFFFE0, v60  }
0x71: {  	v3 =	vor.u32 v3, v4  }
0x72: {  	v4 =	vperm.xlane v3, v0;
	_ =	sdelay $0x1  }
0x73: {  	v4 =	vadd.s32 v1, v4;
	_ =	sdelay $0x1  }
0x74: {  	v3 =	vperm.xlane v3, v2;
	_ =	sdelay $0x1  }
0x75: {  	s24 =	simm.s32 $0xC400;
	v3 =	vadd.s32 v1, v3  }
0x76: {  	[tilespmem:s24], [sflag:$0x4] =	stream.indirect_vreg.gather [hbm4b:s1+s4], $0x80, v4, vm0, $0xb8;
	[tilespmem:$0x1C400] =	vst v63  }
0x77: {  	s25 =	simm.s32 $0xCC00  }
0x78: {  	[tilespmem:s25], [sflag:$0x4] =	stream.indirect_vreg.gather [hbm4b:s7+s4], $0x80, v4, vm0, $0xb8;
	[tilespmem:$0x1C400] =	vst v63  }
0x79: {  	s26 =	simm.s32 $0xD400  }
0x7a: {  	[tilespmem:s26], [sflag:$0x4] =	stream.indirect_vreg.gather [hbm4b:s1+s4], $0x80, v3, vm0, $0xb8;
	[tilespmem:$0x1C400] =	vst v63  }
0x7b: {  	s18 =	simm.s32 $0xDC00  }
0x7c: {  	[tilespmem:s18], [sflag:$0x4] =	stream.indirect_vreg.gather [hbm4b:s7+s4], $0x80, v3, vm0, $0xb8;
	[tilespmem:$0x1C400] =	vst v63  }
0x7d: {  	v3 =	vld [tilespmem:$0x70];
	_ =	sdelay $0x4  }
0x7e: {  	v61 =	vshll.u32 v3, $0x2  }
0x7f: {  	v3 =	vand.u32 $0x7, v3;
	v4 =	vand.u32 $0xFFFFFFE0, v61  }
0x80: {  	v3 =	vor.u32 v3, v4  }
0x81: {  	v4 =	vperm.xlane v3, v0;
	_ =	sdelay $0x1  }
0x82: {  	v4 =	vadd.s32 v1, v4;
	_ =	sdelay $0x1  }
0x83: {  	v3 =	vperm.xlane v3, v2;
	_ =	sdelay $0x1  }
0x84: {  	s19 =	simm.s32 $0xE400;
	v3 =	vadd.s32 v1, v3  }
0x85: {  	[tilespmem:s19], [sflag:$0x4] =	stream.indirect_vreg.gather [hbm4b:s1+s4], $0x80, v4, vm0, $0xb8;
	[tilespmem:$0x1C400] =	vst v63  }
0x86: {  	s20 =	simm.s32 $0xEC00  }
0x87: {  	[tilespmem:s20], [sflag:$0x4] =	stream.indirect_vreg.gather [hbm4b:s7+s4], $0x80, v4, vm0, $0xb8;
	[tilespmem:$0x1C400] =	vst v63  }
0x88: {  	s21 =	simm.s32 $0xF400  }
0x89: {  	[tilespmem:s21], [sflag:$0x4] =	stream.indirect_vreg.gather [hbm4b:s1+s4], $0x80, v3, vm0, $0xb8;
	[tilespmem:$0x1C400] =	vst v63  }
0x8a: {  	s22 =	simm.s32 $0xFC00  }
0x8b: {  	[tilespmem:s22], [sflag:$0x4] =	stream.indirect_vreg.gather [hbm4b:s7+s4], $0x80, v3, vm0, $0xb8;
	[tilespmem:$0x1C400] =	vst v63  }
0x8c: {  	v3 =	vld [tilespmem:$0x80];
	_ =	sdelay $0x4  }
0x8d: {  	v62 =	vshll.u32 v3, $0x2  }
0x8e: {  	v3 =	vand.u32 $0x7, v3;
	v4 =	vand.u32 $0xFFFFFFE0, v62  }
0x8f: {  	v3 =	vor.u32 v3, v4  }
0x90: {  	v4 =	vperm.xlane v3, v0;
	_ =	sdelay $0x1  }
0x91: {  	v4 =	vadd.s32 v1, v4;
	_ =	sdelay $0x1  }
0x92: {  	v3 =	vperm.xlane v3, v2;
	_ =	sdelay $0x1  }
0x93: {  	s23 =	simm.s32 $0x10400;
	v3 =	vadd.s32 v1, v3  }
0x94: {  	[tilespmem:s23], [sflag:$0x5] =	stream.indirect_vreg.gather [hbm4b:s1+s4], $0x80, v4, vm0, $0xb8;
	[tilespmem:$0x1C400] =	vst v63  }
0x95: {  	s24 =	simm.s32 $0x10C00  }
0x96: {  	[tilespmem:s24], [sflag:$0x5] =	stream.indirect_vreg.gather [hbm4b:s7+s4], $0x80, v4, vm0, $0xb8;
	[tilespmem:$0x1C400] =	vst v63  }
0x97: {  	s25 =	simm.s32 $0x11400  }
0x98: {  	[tilespmem:s25], [sflag:$0x5] =	stream.indirect_vreg.gather [hbm4b:s1+s4], $0x80, v3, vm0, $0xb8;
	[tilespmem:$0x1C400] =	vst v63  }
0x99: {  	s26 =	simm.s32 $0x11C00  }
0x9a: {  	[tilespmem:s26], [sflag:$0x5] =	stream.indirect_vreg.gather [hbm4b:s7+s4], $0x80, v3, vm0, $0xb8;
	[tilespmem:$0x1C400] =	vst v63  }
0x9b: {  	v3 =	vld [tilespmem:$0x90];
	_ =	sdelay $0x4  }
0x9c: {  	v63 =	vshll.u32 v3, $0x2  }
0x9d: {  	v3 =	vand.u32 $0x7, v3;
	v4 =	vand.u32 $0xFFFFFFE0, v63  }
0x9e: {  	v3 =	vor.u32 v3, v4  }
0x9f: {  	v4 =	vperm.xlane v3, v0;
	_ =	sdelay $0x1  }
0xa0: {  	v4 =	vadd.s32 v1, v4;
	_ =	sdelay $0x1  }
0xa1: {  	v3 =	vperm.xlane v3, v2;
	_ =	sdelay $0x1  }
0xa2: {  	v3 =	vadd.s32 v1, v3  }
0xa3: {  	[tilespmem:s28], [sflag:$0x5] =	stream.indirect_vreg.gather [hbm4b:s1+s4], $0x80, v4, vm0, $0xb8;
	[tilespmem:$0x1C400] =	vst v63  }
0xa4: {  	_ = 	snop  }
0xa5: {  	[tilespmem:s29], [sflag:$0x5] =	stream.indirect_vreg.gather [hbm4b:s7+s4], $0x80, v4, vm0, $0xb8;
	[tilespmem:$0x1C400] =	vst v63  }
0xa6: {  	_ = 	snop  }
0xa7: {  	[tilespmem:s30], [sflag:$0x5] =	stream.indirect_vreg.gather [hbm4b:s1+s4], $0x80, v3, vm0, $0xb8;
	[tilespmem:$0x1C400] =	vst v63  }
0xa8: {  	s17 =	simm.s32 $0x0  }
0xa9: {  	[tilespmem:s31], [sflag:$0x5] =	stream.indirect_vreg.gather [hbm4b:s7+s4], $0x80, v3, vm0, $0xb8;
	[tilespmem:$0x1C400] =	vst v63  }
.LBB2_2:
0xaa: {  	s18 =	smul.u32 $0x25, s17;
	_ =	sdelay $0x1  }
0xab: {  	s19 =	sadd.s32 $0x5, s17;
	p0 =	sgt.u32 s17, $0x1A;
	s18 =	sshrl.u32 s18, $0x8  }
0xac: {  	s21 =	smul.u32 @!p0 $0x25, s19;
	s20 =	ssub.s32 s17, s18  }
0xad: {  	s20 =	sand.u32 $0xFE, s20  }
0xae: {  	s21 =	sshrl.u32 @!p0 s21, $0x8;
	s20 =	sshrl.u32 s20, $0x1  }
0xaf: {  	s18 =	sadd.s32 s18, s20;
	s20 =	ssub.s32 @!p0 s19, s21  }
0xb0: {  	s18 =	sand.u32 $0xFC, s18;
	s20 =	sand.u32 @!p0 $0xFE, s20  }
0xb1: {  	s18 =	sshrl.u32 s18, $0x2;
	s20 =	sshrl.u32 @!p0 s20, $0x1  }
0xb2: {  	s18 =	smul.u32 $0x7, s18;
	s20 =	sadd.s32 @!p0 s21, s20  }
0xb3: {  	s20 =	sand.u32 @!p0 $0xFC, s20  }
0xb4: {  	s18 =	ssub.s32 s17, s18;
	s21 =	sshrl.u32 @!p0 s20, $0x2  }
0xb5: {  	s20 =	sand.u32 $0xFF, s18;
	s18 =	smul.u32 @!p0 $0x7, s21  }
0xb6: {  	s24 =	sadd.s32 $0x1, s20  }
0xb7: {  	p1 =	slt.u32 @!p0 s17, $0x2;
	_ =	swait.ge [sflag:s24], $0x4000;
	s18 =	ssub.s32 @!p0 s19, s18  }
0xb8: {  	p1 =	por p1, p0;
	[sflag:s24] =	ssyncset.done $0x0;
	s18 =	sand.u32 @!p0 $0xFF, s18  }
0xb9: {  	[sflag:s24] =	ssyncadd.s32 $0xFFFFC000;
	s21 =	sadd.s32 @!p1 $0x8, s18  }
0xba: {  	_ =	swait.ge @!p1 [sflag:s21], $0x4000  }
0xbb: {  	s19 =	sshll.u32 @!p0 s19, $0x5;
	[sflag:s21] =	ssyncset.done @!p1 $0x0  }
0xbc: {  	s19 =	sand.u32 @!p0 $0x3FFFFFE0, s19;
	[sflag:s21] =	ssyncadd.s32 @!p1 $0xFFFFC000  }
0xbd: {  	v3 =	vld @!p0 [tilespmem:s19+$0x0];
	_ =	sdelay $0x4  }
0xbe: {  	v4 =	vshll.u32 @!p0 v3, $0x2  }
0xbf: {  	v5 =	vlaneseq.u32 @!p0;
	v3 =	vand.u32 @!p0 $0x7, v3;
	v4 =	vand.u32 @!p0 $0xFFFFFFE0, v4  }
0xc0: {  	v6 =	vshrl.u32 @!p0 v5, $0x3;
	v3 =	vor.u32 @!p0 v3, v4;
	v4 =	vand.u32 @!p0 $0x7, v5  }
0xc1: {  	v6 =	vmul.u32 @!p0 $0x8, v6;
	v7 =	vperm.xlane @!p0 v3, v4;
	_ =	sdelay $0x1  }
0xc2: {  	v7 =	vadd.s32 @!p0 v6, v7  }
0xc3: {  	v5 =	vor.u32 @!p0 $0x8, v5  }
0xc4: {  	v3 =	vperm.xlane @!p0 v3, v5  }
0xc5: {  	s21 =	sshll.u32 @!p0 s18, $0xE  }
0xc6: {  	vm1 =	vmmov @!p0 $0xffff;
	s23 =	simm.s32 @!p0 $0x0;
	s18 =	sadd.s32 @!p0 $0x1, s18;
	s22 =	sor.u32 @!p0 $0x400, s21;
	v3 =	vadd.s32 @!p0 v6, v3  }
0xc7: {  	[tilespmem:s22], [sflag:s18] =	stream.indirect_vreg.gather @!p0 [hbm4b:s1+s23], $0x80, v7, vm1, $0xb8;
	[tilespmem:$0x1C400] =	vst v63  }
0xc8: {  	s22 =	sor.u32 @!p0 $0xC00, s21  }
0xc9: {  	[tilespmem:s22], [sflag:s18] =	stream.indirect_vreg.gather @!p0 [hbm4b:s7+s23], $0x80, v7, vm1, $0xb8;
	[tilespmem:$0x1C400] =	vst v63  }
0xca: {  	s22 =	sor.u32 @!p0 $0x1400, s21  }
0xcb: {  	[tilespmem:s22], [sflag:s18] =	stream.indirect_vreg.gather @!p0 [hbm4b:s1+s23], $0x80, v3, vm1, $0xb8;
	[tilespmem:$0x1C400] =	vst v63  }
0xcc: {  	s22 =	sor.u32 @!p0 $0x1C00, s21  }
0xcd: {  	[tilespmem:s22], [sflag:s18] =	stream.indirect_vreg.gather @!p0 [hbm4b:s7+s23], $0x80, v3, vm1, $0xb8;
	[tilespmem:$0x1C400] =	vst v63  }
0xce: {  	v3 =	vld @!p0 [tilespmem:s19+$0x10];
	_ =	sdelay $0x4  }
0xcf: {  	v7 =	vshll.u32 @!p0 v3, $0x2  }
0xd0: {  	v3 =	vand.u32 @!p0 $0x7, v3;
	v7 =	vand.u32 @!p0 $0xFFFFFFE0, v7  }
0xd1: {  	v3 =	vor.u32 @!p0 v3, v7  }
0xd2: {  	v4 =	vperm.xlane @!p0 v3, v4;
	_ =	sdelay $0x1  }
0xd3: {  	v4 =	vadd.s32 @!p0 v6, v4;
	_ =	sdelay $0x1  }
0xd4: {  	v3 =	vperm.xlane @!p0 v3, v5;
	_ =	sdelay $0x1  }
0xd5: {  	s19 =	sor.u32 @!p0 $0x2400, s21;
	v3 =	vadd.s32 @!p0 v6, v3  }
0xd6: {  	[tilespmem:s19], [sflag:s18] =	stream.indirect_vreg.gather @!p0 [hbm4b:s1+s23], $0x80, v4, vm1, $0xb8;
	[tilespmem:$0x1C400] =	vst v63  }
0xd7: {  	s19 =	sor.u32 @!p0 $0x2C00, s21  }
0xd8: {  	[tilespmem:s19], [sflag:s18] =	stream.indirect_vreg.gather @!p0 [hbm4b:s7+s23], $0x80, v4, vm1, $0xb8;
	[tilespmem:$0x1C400] =	vst v63  }
0xd9: {  	s19 =	sor.u32 @!p0 $0x3400, s21  }
0xda: {  	[tilespmem:s19], [sflag:s18] =	stream.indirect_vreg.gather @!p0 [hbm4b:s1+s23], $0x80, v3, vm1, $0xb8;
	[tilespmem:$0x1C400] =	vst v63  }
0xdb: {  	s19 =	sor.u32 @!p0 $0x3C00, s21  }
0xdc: {  	[tilespmem:s19], [sflag:s18] =	stream.indirect_vreg.gather @!p0 [hbm4b:s7+s23], $0x80, v3, vm1, $0xb8;
	[tilespmem:$0x1C400] =	vst v63  }
0xdd: {  	s18 =	sshll.u32 s20, $0xE;
	s19 =	simm.s32 $0x0  }
0xde: {  	s21 =	sor.u32 $0x400, s18;
	s25 =	sand.u32 $0x1000, s19  }
0xdf: {  	s26 =	sand.u32 $0x380, s19;
	s22 =	sadd.s32 s25, s21  }
0xe0: {  	s22 =	sadd.s32 s26, s22  }
0xe1: {  	v3 =	vld [tilespmem:s22+$0x0]  }
0xe2: {  	v4 =	vld [tilespmem:s22+$0x10]  }
0xe3: {  	v5 =	vld [tilespmem:s22+$0x20]  }
0xe4: {  	v6 =	vld [tilespmem:s22+$0x30]  }
0xe5: {  	v7 =	vld [tilespmem:s22+$0x40]  }
0xe6: {  	v8 =	vld [tilespmem:s22+$0x50];
	v3 =	vmul.f32 $2.262741660e+01, v3  }
0xe7: {  	v9 =	vld [tilespmem:s22+$0x60];
	v4 =	vmul.f32 $2.262741660e+01, v4  }
0xe8: {  	[tilespmem:s22+$0x0] =	vst v3;
	v3 =	vmul.f32 $2.262741660e+01, v5;
	v5 =	vld [tilespmem:s22+$0x70]  }
0xe9: {  	[tilespmem:s22+$0x10] =	vst v4;
	v4 =	vmul.f32 $2.262741660e+01, v6;
	v6 =	vld [tilespmem:s22+$0x400]  }
0xea: {  	[tilespmem:s22+$0x20] =	vst v3;
	v3 =	vmul.f32 $2.262741660e+01, v7;
	v7 =	vld [tilespmem:s22+$0x410]  }
0xeb: {  	[tilespmem:s22+$0x30] =	vst v4;
	v4 =	vmul.f32 $2.262741660e+01, v8;
	v8 =	vld [tilespmem:s22+$0x420]  }
0xec: {  	[tilespmem:s22+$0x40] =	vst v3;
	v3 =	vmul.f32 $2.262741660e+01, v9;
	v9 =	vld [tilespmem:s22+$0x430]  }
0xed: {  	[tilespmem:s22+$0x50] =	vst v4;
	v4 =	vmul.f32 $2.262741660e+01, v5;
	v5 =	vld [tilespmem:s22+$0x440]  }
0xee: {  	[tilespmem:s22+$0x60] =	vst v3;
	v3 =	vmul.f32 $2.262741660e+01, v6;
	v6 =	vld [tilespmem:s22+$0x450]  }
0xef: {  	[tilespmem:s22+$0x70] =	vst v4;
	v4 =	vmul.f32 $2.262741660e+01, v7;
	v7 =	vld [tilespmem:s22+$0x460]  }
0xf0: {  	[tilespmem:s22+$0x400] =	vst v3;
	v3 =	vmul.f32 $2.262741660e+01, v8;
	v8 =	vld [tilespmem:s22+$0x470]  }
0xf1: {  	[tilespmem:s22+$0x410] =	vst v4;
	v4 =	vmul.f32 $2.262741660e+01, v9;
	v9 =	vld [tilespmem:s22+$0x800]  }
0xf2: {  	[tilespmem:s22+$0x420] =	vst v3;
	v3 =	vmul.f32 $2.262741660e+01, v5;
	v5 =	vld [tilespmem:s22+$0x810]  }
0xf3: {  	[tilespmem:s22+$0x430] =	vst v4;
	v4 =	vmul.f32 $2.262741660e+01, v6;
	v6 =	vld [tilespmem:s22+$0x820]  }
0xf4: {  	[tilespmem:s22+$0x440] =	vst v3;
	v3 =	vmul.f32 $2.262741660e+01, v7;
	v7 =	vld [tilespmem:s22+$0x830]  }
0xf5: {  	[tilespmem:s22+$0x450] =	vst v4;
	v4 =	vmul.f32 $2.262741660e+01, v8;
	v8 =	vld [tilespmem:s22+$0x840]  }
0xf6: {  	[tilespmem:s22+$0x460] =	vst v3;
	v3 =	vmul.f32 $2.262741660e+01, v9;
	v9 =	vld [tilespmem:s22+$0x850]  }
0xf7: {  	[tilespmem:s22+$0x470] =	vst v4;
	v4 =	vmul.f32 $2.262741660e+01, v5;
	v5 =	vld [tilespmem:s22+$0x860]  }
0xf8: {  	v10 =	vld [tilespmem:s22+$0x870];
	[tilespmem:s22+$0x800] =	vst v3;
	v3 =	vmul.f32 $2.262741660e+01, v6  }
0xf9: {  	[tilespmem:s22+$0x810] =	vst v4;
	v4 =	vmul.f32 $2.262741660e+01, v7;
	v7 =	vld [tilespmem:s22+$0xC00]  }
0xfa: {  	v6 =	vld [tilespmem:s22+$0xC10];
	[tilespmem:s22+$0x820] =	vst v3;
	v3 =	vmul.f32 $2.262741660e+01, v8  }
0xfb: {  	[tilespmem:s22+$0x830] =	vst v4;
	v8 =	vmul.f32 $2.262741660e+01, v9;
	v4 =	vld [tilespmem:s22+$0xC20]  }
0xfc: {  	[tilespmem:s22+$0x840] =	vst v3;
	v3 =	vld [tilespmem:s22+$0xC30];
	v9 =	vmul.f32 $2.262741660e+01, v5  }
0xfd: {  	s23 =	simm.s32 $0x200;
	v5 =	vld [tilespmem:s22+$0xC40];
	[tilespmem:s22+$0x850] =	vst v8;
	v8 =	vmul.f32 $2.262741660e+01, v10  }
.LBB2_3:
0xfe: {  	s24 =	sand.u32 $0x1000, s23;
	p0 =	sne.s32 s23, $0x1E00;
	[tilespmem:s22+$0x860] =	vst v9;
	v7 =	vmul.f32 $2.262741660e+01, v7;
	v9 =	vld [tilespmem:s22+$0xC50];
	s19 =	sadd.s32 $0x80, s19  }
0xff: {  	s25 =	sand.u32 $0x380, s19;
	s24 =	sadd.s32 s24, s21;
	[tilespmem:s22+$0x870] =	vst v8;
	v6 =	vmul.f32 $2.262741660e+01, v6;
	v8 =	vld [tilespmem:s22+$0xC60]  }
0x100: {  	s24 =	sadd.s32 s25, s24;
	[tilespmem:s22+$0xC00] =	vst v7;
	v4 =	vmul.f32 $2.262741660e+01, v4;
	v7 =	vld [tilespmem:s22+$0xC70]  }
0x101: {  	v10 =	vld [tilespmem:s24+$0x0];
	[tilespmem:s22+$0xC10] =	vst v6;
	v3 =	vmul.f32 $2.262741660e+01, v3  }
0x102: {  	v6 =	vld [tilespmem:s24+$0x10];
	[tilespmem:s22+$0xC20] =	vst v4;
	v4 =	vmul.f32 $2.262741660e+01, v5  }
0x103: {  	v5 =	vld [tilespmem:s24+$0x20];
	[tilespmem:s22+$0xC30] =	vst v3;
	v3 =	vmul.f32 $2.262741660e+01, v9  }
0x104: {  	v9 =	vld [tilespmem:s24+$0x30];
	[tilespmem:s22+$0xC40] =	vst v4;
	v4 =	vmul.f32 $2.262741660e+01, v8  }
0x105: {  	v8 =	vld [tilespmem:s24+$0x40];
	[tilespmem:s22+$0xC50] =	vst v3;
	v3 =	vmul.f32 $2.262741660e+01, v7  }
0x106: {  	v7 =	vmul.f32 $2.262741660e+01, v10;
	v10 =	vld [tilespmem:s24+$0x50];
	[tilespmem:s22+$0xC60] =	vst v4  }
0x107: {  	v4 =	vmul.f32 $2.262741660e+01, v6;
	v6 =	vld [tilespmem:s24+$0x60];
	[tilespmem:s22+$0xC70] =	vst v3;
	s22 =	smov.u32 s24  }
0x108: {  	[tilespmem:s22+$0x0] =	vst v7;
	v3 =	vmul.f32 $2.262741660e+01, v5;
	v5 =	vld [tilespmem:s22+$0x70]  }
0x109: {  	[tilespmem:s22+$0x10] =	vst v4;
	v4 =	vmul.f32 $2.262741660e+01, v9;
	v7 =	vld [tilespmem:s22+$0x400]  }
0x10a: {  	[tilespmem:s22+$0x20] =	vst v3;
	v3 =	vmul.f32 $2.262741660e+01, v8;
	v8 =	vld [tilespmem:s22+$0x410]  }
0x10b: {  	[tilespmem:s22+$0x30] =	vst v4;
	v4 =	vmul.f32 $2.262741660e+01, v10;
	v9 =	vld [tilespmem:s22+$0x420]  }
0x10c: {  	[tilespmem:s22+$0x40] =	vst v3;
	v3 =	vmul.f32 $2.262741660e+01, v6;
	v6 =	vld [tilespmem:s22+$0x430]  }
0x10d: {  	[tilespmem:s22+$0x50] =	vst v4;
	v4 =	vmul.f32 $2.262741660e+01, v5;
	v5 =	vld [tilespmem:s22+$0x440]  }
0x10e: {  	[tilespmem:s22+$0x60] =	vst v3;
	v3 =	vmul.f32 $2.262741660e+01, v7;
	v7 =	vld [tilespmem:s22+$0x450]  }
0x10f: {  	[tilespmem:s22+$0x70] =	vst v4;
	v4 =	vmul.f32 $2.262741660e+01, v8;
	v8 =	vld [tilespmem:s22+$0x460]  }
0x110: {  	[tilespmem:s22+$0x400] =	vst v3;
	v3 =	vmul.f32 $2.262741660e+01, v9;
	v9 =	vld [tilespmem:s22+$0x470]  }
0x111: {  	[tilespmem:s22+$0x410] =	vst v4;
	v4 =	vmul.f32 $2.262741660e+01, v6;
	v6 =	vld [tilespmem:s22+$0x800]  }
0x112: {  	[tilespmem:s22+$0x420] =	vst v3;
	v3 =	vmul.f32 $2.262741660e+01, v5;
	v5 =	vld [tilespmem:s22+$0x810]  }
0x113: {  	[tilespmem:s22+$0x430] =	vst v4;
	v4 =	vmul.f32 $2.262741660e+01, v7;
	v7 =	vld [tilespmem:s22+$0x820]  }
0x114: {  	[tilespmem:s22+$0x440] =	vst v3;
	v3 =	vmul.f32 $2.262741660e+01, v8;
	v8 =	vld [tilespmem:s22+$0x830]  }
0x115: {  	[tilespmem:s22+$0x450] =	vst v4;
	v4 =	vmul.f32 $2.262741660e+01, v9;
	v9 =	vld [tilespmem:s22+$0x840]  }
0x116: {  	[tilespmem:s22+$0x460] =	vst v3;
	v3 =	vmul.f32 $2.262741660e+01, v6;
	v10 =	vld [tilespmem:s22+$0x850]  }
0x117: {  	[tilespmem:s22+$0x470] =	vst v4;
	v4 =	vmul.f32 $2.262741660e+01, v5;
	v5 =	vld [tilespmem:s22+$0x860]  }
0x118: {  	[tilespmem:s22+$0x800] =	vst v3;
	v3 =	vmul.f32 $2.262741660e+01, v7;
	v11 =	vld [tilespmem:s22+$0x870]  }
.Ltmp0:
0x119: {  	[tilespmem:s22+$0x810] =	vst v4;
	v4 =	vmul.f32 $2.262741660e+01, v8;
	v7 =	vld [tilespmem:s22+$0xC00];
	(pc) =	sbr.rel @p0 .LBB2_3-.Ltmp0, $4  }
0x11a: {  	[tilespmem:s22+$0x820] =	vst v3;
	v3 =	vmul.f32 $2.262741660e+01, v9;
	v6 =	vld [tilespmem:s22+$0xC10]  }
0x11b: {  	[tilespmem:s22+$0x830] =	vst v4;
	v8 =	vmul.f32 $2.262741660e+01, v10;
	v4 =	vld [tilespmem:s22+$0xC20]  }
0x11c: {  	[tilespmem:s22+$0x840] =	vst v3;
	v9 =	vmul.f32 $2.262741660e+01, v5;
	v3 =	vld [tilespmem:s22+$0xC30]  }
0x11d: {  	s23 =	sadd.s32 $0x200, s23;
	[tilespmem:s22+$0x850] =	vst v8;
	v8 =	vmul.f32 $2.262741660e+01, v11;
	v5 =	vld [tilespmem:s22+$0xC40]  }
0x11e: {  	[tilespmem:s22+$0x860] =	vst v9;
	v7 =	vmul.f32 $2.262741660e+01, v7;
	v9 =	vld [tilespmem:s22+$0xC50]  }
0x11f: {  	[tilespmem:s22+$0x870] =	vst v8;
	v6 =	vmul.f32 $2.262741660e+01, v6;
	v8 =	vld [tilespmem:s22+$0xC60]  }
0x120: {  	[tilespmem:s22+$0xC00] =	vst v7;
	v4 =	vmul.f32 $2.262741660e+01, v4;
	v7 =	vld [tilespmem:s22+$0xC70]  }
0x121: {  	[tilespmem:s22+$0xC10] =	vst v6;
	v3 =	vmul.f32 $2.262741660e+01, v3  }
0x122: {  	[tilespmem:s22+$0xC20] =	vst v4;
	v4 =	vmul.f32 $2.262741660e+01, v5  }
0x123: {  	[tilespmem:s22+$0xC30] =	vst v3;
	v3 =	vmul.f32 $2.262741660e+01, v9  }
0x124: {  	[tilespmem:s22+$0xC40] =	vst v4;
	v4 =	vmul.f32 $2.262741660e+01, v8  }
0x125: {  	s19 =	sshll.u32 s17, $0xB;
	[tilespmem:s22+$0xC50] =	vst v3;
	v5 =	vmul.f32 $2.262741660e+01, v7;
	v3 =	vmov s18  }
0x126: {  	s20 =	sadd.s32 $0x8, s20;
	s23 =	simm.s32 $0x0;
	s19 =	sadd.s32 s5, s19;
	[tilespmem:s22+$0xC60] =	vst v4  }
0x127: {  	s24 =	sand.u32 $0x1000, s23;
	s25 =	sand.u32 $0x380, s23;
	s26 =	sadd.s32 s3, s19;
	[tilespmem:s22+$0xC70] =	vst v5  }
0x128: {  	[hbm4b:s26+s23] =	stream.linear.scatter [tilespmem:s21], [sflag:s20], $0x2000, $0x38;
	[tilespmem:$0x1C400] =	vst v63  }
0x129: {  	s21 =	sor.u32 s25, s24  }
0x12a: {  	v4 =	vld.idx.msk [tilespmem:v3+s21+$0x2C00 ss:$0x1], $0xffff  }
0x12b: {  	v5 =	vld.idx.msk [tilespmem:v3+s21+$0x2400 ss:$0x1], $0xffff;
	_ =	sdelay $0x2  }
0x12c: {  	v6 =	vld.idx.msk [tilespmem:v3+s21+$0x3000 ss:$0x1], $0xffff  }
0x12d: {  	v7 =	vld.idx.msk [tilespmem:v3+s21+$0x2800 ss:$0x1], $0xffff;
	v4 =	vmul.f32 $2.262741660e+01, v4  }
0x12e: {  	v5 =	vmul.f32 $2.262741660e+01, v5  }
0x12f: {  	[tilespmem:v3+s21+$0x2C00 ss:$0x1] =	vst.idx.msk $0xffff, v4  }
0x130: {  	[tilespmem:v3+s21+$0x2400 ss:$0x1] =	vst.idx.msk $0xffff, v5;
	v4 =	vld.idx.msk [tilespmem:v3+s21+$0x2C10 ss:$0x1], $0xffff  }
0x131: {  	v6 =	vmul.f32 $2.262741660e+01, v6;
	v5 =	vld.idx.msk [tilespmem:v3+s21+$0x2410 ss:$0x1], $0xffff  }
0x132: {  	v7 =	vmul.f32 $2.262741660e+01, v7  }
0x133: {  	[tilespmem:v3+s21+$0x3000 ss:$0x1] =	vst.idx.msk $0xffff, v6  }
0x134: {  	[tilespmem:v3+s21+$0x2800 ss:$0x1] =	vst.idx.msk $0xffff, v7;
	v6 =	vld.idx.msk [tilespmem:v3+s21+$0x3010 ss:$0x1], $0xffff  }
0x135: {  	v7 =	vld.idx.msk [tilespmem:v3+s21+$0x2810 ss:$0x1], $0xffff;
	v4 =	vmul.f32 $2.262741660e+01, v4  }
0x136: {  	v5 =	vmul.f32 $2.262741660e+01, v5  }
0x137: {  	[tilespmem:v3+s21+$0x2C10 ss:$0x1] =	vst.idx.msk $0xffff, v4  }
0x138: {  	[tilespmem:v3+s21+$0x2410 ss:$0x1] =	vst.idx.msk $0xffff, v5;
	v4 =	vld.idx.msk [tilespmem:v3+s21+$0x2C20 ss:$0x1], $0xffff  }
0x139: {  	v6 =	vmul.f32 $2.262741660e+01, v6;
	v5 =	vld.idx.msk [tilespmem:v3+s21+$0x2420 ss:$0x1], $0xffff  }
0x13a: {  	v7 =	vmul.f32 $2.262741660e+01, v7  }
0x13b: {  	[tilespmem:v3+s21+$0x3010 ss:$0x1] =	vst.idx.msk $0xffff, v6  }
0x13c: {  	[tilespmem:v3+s21+$0x2810 ss:$0x1] =	vst.idx.msk $0xffff, v7;
	v6 =	vld.idx.msk [tilespmem:v3+s21+$0x3020 ss:$0x1], $0xffff  }
0x13d: {  	v7 =	vld.idx.msk [tilespmem:v3+s21+$0x2820 ss:$0x1], $0xffff;
	v4 =	vmul.f32 $2.262741660e+01, v4  }
0x13e: {  	v5 =	vmul.f32 $2.262741660e+01, v5  }
0x13f: {  	[tilespmem:v3+s21+$0x2C20 ss:$0x1] =	vst.idx.msk $0xffff, v4  }
0x140: {  	[tilespmem:v3+s21+$0x2420 ss:$0x1] =	vst.idx.msk $0xffff, v5;
	v4 =	vld.idx.msk [tilespmem:v3+s21+$0x2C30 ss:$0x1], $0xffff  }
0x141: {  	v6 =	vmul.f32 $2.262741660e+01, v6;
	v5 =	vld.idx.msk [tilespmem:v3+s21+$0x2430 ss:$0x1], $0xffff  }
0x142: {  	v7 =	vmul.f32 $2.262741660e+01, v7  }
0x143: {  	[tilespmem:v3+s21+$0x3020 ss:$0x1] =	vst.idx.msk $0xffff, v6  }
0x144: {  	[tilespmem:v3+s21+$0x2820 ss:$0x1] =	vst.idx.msk $0xffff, v7;
	v6 =	vld.idx.msk [tilespmem:v3+s21+$0x3030 ss:$0x1], $0xffff  }
0x145: {  	v7 =	vld.idx.msk [tilespmem:v3+s21+$0x2830 ss:$0x1], $0xffff;
	v4 =	vmul.f32 $2.262741660e+01, v4  }
0x146: {  	v5 =	vmul.f32 $2.262741660e+01, v5  }
0x147: {  	s26 =	simm.s32 $0x200;
	s23 =	simm.s32 $0x80;
	[tilespmem:v3+s21+$0x2C30 ss:$0x1] =	vst.idx.msk $0xffff, v4  }
0x148: {  	s22 =	sand.u32 $0x1000, s26;
	s24 =	sand.u32 $0x380, s23;
	[tilespmem:v3+s21+$0x2430 ss:$0x1] =	vst.idx.msk $0xffff, v5;
	v4 =	vld.idx.msk [tilespmem:v3+s21+$0x2C40 ss:$0x1], $0xffff  }
0x149: {  	s22 =	sor.u32 s24, s22;
	v6 =	vmul.f32 $2.262741660e+01, v6;
	v5 =	vld.idx.msk [tilespmem:v3+s21+$0x2440 ss:$0x1], $0xffff  }
0x14a: {  	v7 =	vmul.f32 $2.262741660e+01, v7;
	v8 =	vld.idx.msk [tilespmem:v3+s22+$0x2C00 ss:$0x1], $0xffff  }
0x14b: {  	[tilespmem:v3+s21+$0x3030 ss:$0x1] =	vst.idx.msk $0xffff, v6;
	v9 =	vld.idx.msk [tilespmem:v3+s22+$0x2400 ss:$0x1], $0xffff  }
0x14c: {  	[tilespmem:v3+s21+$0x2830 ss:$0x1] =	vst.idx.msk $0xffff, v7;
	v6 =	vld.idx.msk [tilespmem:v3+s21+$0x3040 ss:$0x1], $0xffff  }
0x14d: {  	v7 =	vld.idx.msk [tilespmem:v3+s21+$0x2840 ss:$0x1], $0xffff;
	v4 =	vmul.f32 $2.262741660e+01, v4  }
0x14e: {  	v10 =	vld.idx.msk [tilespmem:v3+s22+$0x3000 ss:$0x1], $0xffff;
	v5 =	vmul.f32 $2.262741660e+01, v5  }
0x14f: {  	v11 =	vld.idx.msk [tilespmem:v3+s22+$0x2800 ss:$0x1], $0xffff;
	v8 =	vmul.f32 $2.262741660e+01, v8;
	[tilespmem:v3+s21+$0x2C40 ss:$0x1] =	vst.idx.msk $0xffff, v4  }
0x150: {  	v4 =	vmul.f32 $2.262741660e+01, v9;
	[tilespmem:v3+s21+$0x2440 ss:$0x1] =	vst.idx.msk $0xffff, v5;
	v5 =	vld.idx.msk [tilespmem:v3+s21+$0x2C50 ss:$0x1], $0xffff  }
0x151: {  	v6 =	vmul.f32 $2.262741660e+01, v6;
	[tilespmem:v3+s22+$0x2C00 ss:$0x1] =	vst.idx.msk $0xffff, v8;
	v8 =	vld.idx.msk [tilespmem:v3+s21+$0x2450 ss:$0x1], $0xffff  }
0x152: {  	v7 =	vmul.f32 $2.262741660e+01, v7;
	[tilespmem:v3+s22+$0x2400 ss:$0x1] =	vst.idx.msk $0xffff, v4;
	v4 =	vld.idx.msk [tilespmem:v3+s22+$0x2C10 ss:$0x1], $0xffff  }
0x153: {  	v10 =	vmul.f32 $2.262741660e+01, v10;
	[tilespmem:v3+s21+$0x3040 ss:$0x1] =	vst.idx.msk $0xffff, v6;
	v9 =	vld.idx.msk [tilespmem:v3+s22+$0x2410 ss:$0x1], $0xffff  }
0x154: {  	v6 =	vmul.f32 $2.262741660e+01, v11;
	[tilespmem:v3+s21+$0x2840 ss:$0x1] =	vst.idx.msk $0xffff, v7;
	v7 =	vld.idx.msk [tilespmem:v3+s21+$0x3050 ss:$0x1], $0xffff  }
0x155: {  	[tilespmem:v3+s22+$0x3000 ss:$0x1] =	vst.idx.msk $0xffff, v10;
	v10 =	vld.idx.msk [tilespmem:v3+s21+$0x2850 ss:$0x1], $0xffff;
	v5 =	vmul.f32 $2.262741660e+01, v5  }
0x156: {  	[tilespmem:v3+s22+$0x2800 ss:$0x1] =	vst.idx.msk $0xffff, v6;
	v6 =	vld.idx.msk [tilespmem:v3+s22+$0x3010 ss:$0x1], $0xffff;
	v8 =	vmul.f32 $2.262741660e+01, v8  }
0x157: {  	v11 =	vld.idx.msk [tilespmem:v3+s22+$0x2810 ss:$0x1], $0xffff;
	v4 =	vmul.f32 $2.262741660e+01, v4;
	[tilespmem:v3+s21+$0x2C50 ss:$0x1] =	vst.idx.msk $0xffff, v5  }
0x158: {  	v5 =	vmul.f32 $2.262741660e+01, v9;
	[tilespmem:v3+s21+$0x2450 ss:$0x1] =	vst.idx.msk $0xffff, v8;
	v8 =	vld.idx.msk [tilespmem:v3+s21+$0x2C60 ss:$0x1], $0xffff  }
0x159: {  	v7 =	vmul.f32 $2.262741660e+01, v7;
	[tilespmem:v3+s22+$0x2C10 ss:$0x1] =	vst.idx.msk $0xffff, v4;
	v4 =	vld.idx.msk [tilespmem:v3+s21+$0x2460 ss:$0x1], $0xffff  }
0x15a: {  	v9 =	vmul.f32 $2.262741660e+01, v10;
	[tilespmem:v3+s22+$0x2410 ss:$0x1] =	vst.idx.msk $0xffff, v5;
	v5 =	vld.idx.msk [tilespmem:v3+s22+$0x2C20 ss:$0x1], $0xffff  }
0x15b: {  	v6 =	vmul.f32 $2.262741660e+01, v6;
	[tilespmem:v3+s21+$0x3050 ss:$0x1] =	vst.idx.msk $0xffff, v7;
	v10 =	vld.idx.msk [tilespmem:v3+s22+$0x2420 ss:$0x1], $0xffff  }
0x15c: {  	v7 =	vmul.f32 $2.262741660e+01, v11;
	[tilespmem:v3+s21+$0x2850 ss:$0x1] =	vst.idx.msk $0xffff, v9;
	v9 =	vld.idx.msk [tilespmem:v3+s21+$0x3060 ss:$0x1], $0xffff  }
0x15d: {  	[tilespmem:v3+s22+$0x3010 ss:$0x1] =	vst.idx.msk $0xffff, v6;
	v11 =	vld.idx.msk [tilespmem:v3+s21+$0x2860 ss:$0x1], $0xffff;
	v6 =	vmul.f32 $2.262741660e+01, v8  }
0x15e: {  	[tilespmem:v3+s22+$0x2810 ss:$0x1] =	vst.idx.msk $0xffff, v7;
	v12 =	vld.idx.msk [tilespmem:v3+s22+$0x3020 ss:$0x1], $0xffff;
	v4 =	vmul.f32 $2.262741660e+01, v4  }
0x15f: {  	v8 =	vld.idx.msk [tilespmem:v3+s22+$0x2820 ss:$0x1], $0xffff;
	v5 =	vmul.f32 $2.262741660e+01, v5;
	[tilespmem:v3+s21+$0x2C60 ss:$0x1] =	vst.idx.msk $0xffff, v6  }
0x160: {  	v10 =	vmul.f32 $2.262741660e+01, v10;
	[tilespmem:v3+s21+$0x2460 ss:$0x1] =	vst.idx.msk $0xffff, v4;
	v7 =	vld.idx.msk [tilespmem:v3+s21+$0x2C70 ss:$0x1], $0xffff  }
0x161: {  	v13 =	vmul.f32 $2.262741660e+01, v9;
	[tilespmem:v3+s22+$0x2C20 ss:$0x1] =	vst.idx.msk $0xffff, v5;
	v6 =	vld.idx.msk [tilespmem:v3+s21+$0x2470 ss:$0x1], $0xffff  }
0x162: {  	[tilespmem:v3+s22+$0x2420 ss:$0x1] =	vst.idx.msk $0xffff, v10;
	v5 =	vld.idx.msk [tilespmem:v3+s22+$0x2C30 ss:$0x1], $0xffff;
	v10 =	vmul.f32 $2.262741660e+01, v11  }
0x163: {  	s24 =	simm.s32 $0x400;
	v9 =	vmul.f32 $2.262741660e+01, v12;
	[tilespmem:v3+s21+$0x3060 ss:$0x1] =	vst.idx.msk $0xffff, v13;
	v4 =	vld.idx.msk [tilespmem:v3+s22+$0x2430 ss:$0x1], $0xffff  }
.LBB2_5:
0x164: {  	p0 =	sne.s32 s24, $0x1E00;
	v8 =	vmul.f32 $2.262741660e+01, v8;
	[tilespmem:v3+s21+$0x2860 ss:$0x1] =	vst.idx.msk $0xffff, v10;
	v10 =	vld.idx.msk [tilespmem:v3+s21+$0x3070 ss:$0x1], $0xffff;
	s25 =	smov.u32 s24;
	s24 =	sadd.s32 $0x200, s24  }
0x165: {  	v7 =	vmul.f32 $2.262741660e+01, v7;
	[tilespmem:v3+s22+$0x3020 ss:$0x1] =	vst.idx.msk $0xffff, v9;
	v9 =	vld.idx.msk [tilespmem:v3+s21+$0x2870 ss:$0x1], $0xffff  }
0x166: {  	s23 =	sadd.s32 $0x80, s23;
	v6 =	vmul.f32 $2.262741660e+01, v6;
	[tilespmem:v3+s22+$0x2820 ss:$0x1] =	vst.idx.msk $0xffff, v8;
	v8 =	vld.idx.msk [tilespmem:v3+s22+$0x3030 ss:$0x1], $0xffff  }
0x167: {  	s25 =	sand.u32 $0x1000, s25;
	s26 =	sand.u32 $0x380, s23;
	v5 =	vmul.f32 $2.262741660e+01, v5;
	v11 =	vld.idx.msk [tilespmem:v3+s22+$0x2830 ss:$0x1], $0xffff;
	[tilespmem:v3+s21+$0x2C70 ss:$0x1] =	vst.idx.msk $0xffff, v7  }
0x168: {  	s25 =	sor.u32 s26, s25;
	v4 =	vmul.f32 $2.262741660e+01, v4;
	[tilespmem:v3+s21+$0x2470 ss:$0x1] =	vst.idx.msk $0xffff, v6  }
0x169: {  	[tilespmem:v3+s22+$0x2C30 ss:$0x1] =	vst.idx.msk $0xffff, v5  }
0x16a: {  	v5 =	vmul.f32 $2.262741660e+01, v10;
	[tilespmem:v3+s22+$0x2430 ss:$0x1] =	vst.idx.msk $0xffff, v4;
	v4 =	vld.idx.msk [tilespmem:v3+s22+$0x2C40 ss:$0x1], $0xffff  }
0x16b: {  	v7 =	vmul.f32 $2.262741660e+01, v9;
	v6 =	vld.idx.msk [tilespmem:v3+s22+$0x2440 ss:$0x1], $0xffff  }
0x16c: {  	v8 =	vmul.f32 $2.262741660e+01, v8;
	v9 =	vld.idx.msk [tilespmem:v3+s25+$0x2C00 ss:$0x1], $0xffff;
	[tilespmem:v3+s21+$0x3070 ss:$0x1] =	vst.idx.msk $0xffff, v5  }
0x16d: {  	v10 =	vmul.f32 $2.262741660e+01, v11;
	v5 =	vld.idx.msk [tilespmem:v3+s25+$0x2400 ss:$0x1], $0xffff;
	[tilespmem:v3+s21+$0x2870 ss:$0x1] =	vst.idx.msk $0xffff, v7;
	s21 =	smov.u32 s22;
	s22 =	smov.u32 s25  }
0x16e: {  	[tilespmem:v3+s21+$0x3030 ss:$0x1] =	vst.idx.msk $0xffff, v8  }
0x16f: {  	[tilespmem:v3+s21+$0x2830 ss:$0x1] =	vst.idx.msk $0xffff, v10;
	v7 =	vld.idx.msk [tilespmem:v3+s21+$0x3040 ss:$0x1], $0xffff  }
0x170: {  	v4 =	vmul.f32 $2.262741660e+01, v4;
	v8 =	vld.idx.msk [tilespmem:v3+s21+$0x2840 ss:$0x1], $0xffff  }
0x171: {  	v6 =	vmul.f32 $2.262741660e+01, v6;
	v10 =	vld.idx.msk [tilespmem:v3+s22+$0x3000 ss:$0x1], $0xffff  }
0x172: {  	v9 =	vmul.f32 $2.262741660e+01, v9;
	v11 =	vld.idx.msk [tilespmem:v3+s22+$0x2800 ss:$0x1], $0xffff;
	[tilespmem:v3+s21+$0x2C40 ss:$0x1] =	vst.idx.msk $0xffff, v4  }
0x173: {  	v4 =	vmul.f32 $2.262741660e+01, v5;
	[tilespmem:v3+s21+$0x2440 ss:$0x1] =	vst.idx.msk $0xffff, v6;
	v5 =	vld.idx.msk [tilespmem:v3+s21+$0x2C50 ss:$0x1], $0xffff  }
0x174: {  	[tilespmem:v3+s22+$0x2C00 ss:$0x1] =	vst.idx.msk $0xffff, v9;
	v6 =	vld.idx.msk [tilespmem:v3+s21+$0x2450 ss:$0x1], $0xffff  }
0x175: {  	v7 =	vmul.f32 $2.262741660e+01, v7;
	[tilespmem:v3+s22+$0x2400 ss:$0x1] =	vst.idx.msk $0xffff, v4;
	v4 =	vld.idx.msk [tilespmem:v3+s22+$0x2C10 ss:$0x1], $0xffff  }
0x176: {  	v8 =	vmul.f32 $2.262741660e+01, v8;
	v9 =	vld.idx.msk [tilespmem:v3+s22+$0x2410 ss:$0x1], $0xffff  }
0x177: {  	v10 =	vmul.f32 $2.262741660e+01, v10;
	[tilespmem:v3+s21+$0x3040 ss:$0x1] =	vst.idx.msk $0xffff, v7  }
0x178: {  	v7 =	vmul.f32 $2.262741660e+01, v11;
	[tilespmem:v3+s21+$0x2840 ss:$0x1] =	vst.idx.msk $0xffff, v8;
	v8 =	vld.idx.msk [tilespmem:v3+s21+$0x3050 ss:$0x1], $0xffff  }
0x179: {  	v5 =	vmul.f32 $2.262741660e+01, v5;
	[tilespmem:v3+s22+$0x3000 ss:$0x1] =	vst.idx.msk $0xffff, v10;
	v10 =	vld.idx.msk [tilespmem:v3+s21+$0x2850 ss:$0x1], $0xffff  }
0x17a: {  	v6 =	vmul.f32 $2.262741660e+01, v6;
	[tilespmem:v3+s22+$0x2800 ss:$0x1] =	vst.idx.msk $0xffff, v7;
	v7 =	vld.idx.msk [tilespmem:v3+s22+$0x3010 ss:$0x1], $0xffff  }
0x17b: {  	v4 =	vmul.f32 $2.262741660e+01, v4;
	v11 =	vld.idx.msk [tilespmem:v3+s22+$0x2810 ss:$0x1], $0xffff;
	[tilespmem:v3+s21+$0x2C50 ss:$0x1] =	vst.idx.msk $0xffff, v5  }
0x17c: {  	v5 =	vmul.f32 $2.262741660e+01, v9;
	[tilespmem:v3+s21+$0x2450 ss:$0x1] =	vst.idx.msk $0xffff, v6;
	v6 =	vld.idx.msk [tilespmem:v3+s21+$0x2C60 ss:$0x1], $0xffff  }
0x17d: {  	[tilespmem:v3+s22+$0x2C10 ss:$0x1] =	vst.idx.msk $0xffff, v4;
	v4 =	vld.idx.msk [tilespmem:v3+s21+$0x2460 ss:$0x1], $0xffff  }
0x17e: {  	v8 =	vmul.f32 $2.262741660e+01, v8;
	[tilespmem:v3+s22+$0x2410 ss:$0x1] =	vst.idx.msk $0xffff, v5;
	v5 =	vld.idx.msk [tilespmem:v3+s22+$0x2C20 ss:$0x1], $0xffff  }
0x17f: {  	v10 =	vmul.f32 $2.262741660e+01, v10;
	v9 =	vld.idx.msk [tilespmem:v3+s22+$0x2420 ss:$0x1], $0xffff  }
0x180: {  	v7 =	vmul.f32 $2.262741660e+01, v7;
	[tilespmem:v3+s21+$0x3050 ss:$0x1] =	vst.idx.msk $0xffff, v8  }
0x181: {  	v8 =	vmul.f32 $2.262741660e+01, v11;
	[tilespmem:v3+s21+$0x2850 ss:$0x1] =	vst.idx.msk $0xffff, v10;
	v10 =	vld.idx.msk [tilespmem:v3+s21+$0x3060 ss:$0x1], $0xffff  }
0x182: {  	v6 =	vmul.f32 $2.262741660e+01, v6;
	[tilespmem:v3+s22+$0x3010 ss:$0x1] =	vst.idx.msk $0xffff, v7;
	v11 =	vld.idx.msk [tilespmem:v3+s21+$0x2860 ss:$0x1], $0xffff  }
0x183: {  	v4 =	vmul.f32 $2.262741660e+01, v4;
	[tilespmem:v3+s22+$0x2810 ss:$0x1] =	vst.idx.msk $0xffff, v8;
	v12 =	vld.idx.msk [tilespmem:v3+s22+$0x3020 ss:$0x1], $0xffff  }
0x184: {  	v5 =	vmul.f32 $2.262741660e+01, v5;
	v8 =	vld.idx.msk [tilespmem:v3+s22+$0x2820 ss:$0x1], $0xffff;
	[tilespmem:v3+s21+$0x2C60 ss:$0x1] =	vst.idx.msk $0xffff, v6  }
.Ltmp1:
0x185: {  	v9 =	vmul.f32 $2.262741660e+01, v9;
	[tilespmem:v3+s21+$0x2460 ss:$0x1] =	vst.idx.msk $0xffff, v4;
	v7 =	vld.idx.msk [tilespmem:v3+s21+$0x2C70 ss:$0x1], $0xffff;
	(pc) =	sbr.rel @p0 .LBB2_5-.Ltmp1, $4  }
0x186: {  	[tilespmem:v3+s22+$0x2C20 ss:$0x1] =	vst.idx.msk $0xffff, v5;
	v6 =	vld.idx.msk [tilespmem:v3+s21+$0x2470 ss:$0x1], $0xffff  }
0x187: {  	v13 =	vmul.f32 $2.262741660e+01, v10;
	[tilespmem:v3+s22+$0x2420 ss:$0x1] =	vst.idx.msk $0xffff, v9;
	v5 =	vld.idx.msk [tilespmem:v3+s22+$0x2C30 ss:$0x1], $0xffff  }
0x188: {  	v10 =	vmul.f32 $2.262741660e+01, v11;
	v4 =	vld.idx.msk [tilespmem:v3+s22+$0x2430 ss:$0x1], $0xffff  }
0x189: {  	v9 =	vmul.f32 $2.262741660e+01, v12;
	[tilespmem:v3+s21+$0x3060 ss:$0x1] =	vst.idx.msk $0xffff, v13  }
0x18a: {  	_ =	sdelay $0x3  }
0x18b: {  	v8 =	vmul.f32 $2.262741660e+01, v8;
	[tilespmem:v3+s21+$0x2860 ss:$0x1] =	vst.idx.msk $0xffff, v10;
	v48 =	vld.idx.msk [tilespmem:v3+s21+$0x3070 ss:$0x1], $0xffff  }
0x18c: {  	v7 =	vmul.f32 $2.262741660e+01, v7;
	[tilespmem:v3+s22+$0x3020 ss:$0x1] =	vst.idx.msk $0xffff, v9;
	v49 =	vld.idx.msk [tilespmem:v3+s21+$0x2870 ss:$0x1], $0xffff  }
0x18d: {  	v6 =	vmul.f32 $2.262741660e+01, v6;
	[tilespmem:v3+s22+$0x2820 ss:$0x1] =	vst.idx.msk $0xffff, v8;
	v50 =	vld.idx.msk [tilespmem:v3+s22+$0x3030 ss:$0x1], $0xffff  }
0x18e: {  	v5 =	vmul.f32 $2.262741660e+01, v5;
	[tilespmem:v3+s21+$0x2C70 ss:$0x1] =	vst.idx.msk $0xffff, v7;
	v11 =	vld.idx.msk [tilespmem:v3+s22+$0x2830 ss:$0x1], $0xffff  }
0x18f: {  	v4 =	vmul.f32 $2.262741660e+01, v4;
	[tilespmem:v3+s21+$0x2470 ss:$0x1] =	vst.idx.msk $0xffff, v6  }
0x190: {  	[tilespmem:v3+s22+$0x2C30 ss:$0x1] =	vst.idx.msk $0xffff, v5;
	v51 =	vmul.f32 $2.262741660e+01, v48  }
0x191: {  	[tilespmem:v3+s22+$0x2430 ss:$0x1] =	vst.idx.msk $0xffff, v4;
	v52 =	vmul.f32 $2.262741660e+01, v49  }
0x192: {  	v53 =	vmul.f32 $2.262741660e+01, v50;
	[tilespmem:v3+s21+$0x3070 ss:$0x1] =	vst.idx.msk $0xffff, v51  }
0x193: {  	v54 =	vld.idx.msk [tilespmem:v3+s22+$0x2C40 ss:$0x1], $0xffff;
	v55 =	vmul.f32 $2.262741660e+01, v11;
	[tilespmem:v3+s21+$0x2870 ss:$0x1] =	vst.idx.msk $0xffff, v52  }
0x194: {  	v56 =	vld.idx.msk [tilespmem:v3+s22+$0x2440 ss:$0x1], $0xffff;
	[tilespmem:v3+s22+$0x3030 ss:$0x1] =	vst.idx.msk $0xffff, v53  }
0x195: {  	[tilespmem:v3+s22+$0x2830 ss:$0x1] =	vst.idx.msk $0xffff, v55;
	v6 =	vld.idx.msk [tilespmem:v3+s22+$0x3040 ss:$0x1], $0xffff  }
0x196: {  	v7 =	vld.idx.msk [tilespmem:v3+s22+$0x2840 ss:$0x1], $0xffff;
	_ =	sdelay $0x1  }
0x197: {  	v5 =	vmul.f32 $2.262741660e+01, v54  }
0x198: {  	v4 =	vmul.f32 $2.262741660e+01, v56  }
0x199: {  	[tilespmem:v3+s22+$0x2C40 ss:$0x1] =	vst.idx.msk $0xffff, v5;
	v57 =	vmul.f32 $2.262741660e+01, v6  }
0x19a: {  	[tilespmem:v3+s22+$0x2440 ss:$0x1] =	vst.idx.msk $0xffff, v4;
	v58 =	vld.idx.msk [tilespmem:v3+s22+$0x2C50 ss:$0x1], $0xffff;
	v59 =	vmul.f32 $2.262741660e+01, v7  }
0x19b: {  	v60 =	vld.idx.msk [tilespmem:v3+s22+$0x2450 ss:$0x1], $0xffff;
	[tilespmem:v3+s22+$0x3040 ss:$0x1] =	vst.idx.msk $0xffff, v57  }
0x19c: {  	[tilespmem:v3+s22+$0x2840 ss:$0x1] =	vst.idx.msk $0xffff, v59;
	v5 =	vld.idx.msk [tilespmem:v3+s22+$0x3050 ss:$0x1], $0xffff  }
0x19d: {  	v6 =	vld.idx.msk [tilespmem:v3+s22+$0x2850 ss:$0x1], $0xffff;
	_ =	sdelay $0x1  }
0x19e: {  	v4 =	vmul.f32 $2.262741660e+01, v58  }
0x19f: {  	v7 =	vmul.f32 $2.262741660e+01, v60  }
0x1a0: {  	[tilespmem:v3+s22+$0x2C50 ss:$0x1] =	vst.idx.msk $0xffff, v4;
	v61 =	vmul.f32 $2.262741660e+01, v5  }
0x1a1: {  	[tilespmem:v3+s22+$0x2450 ss:$0x1] =	vst.idx.msk $0xffff, v7;
	v62 =	vld.idx.msk [tilespmem:v3+s22+$0x2C60 ss:$0x1], $0xffff;
	v6 =	vmul.f32 $2.262741660e+01, v6  }
0x1a2: {  	v7 =	vld.idx.msk [tilespmem:v3+s22+$0x2460 ss:$0x1], $0xffff;
	[tilespmem:v3+s22+$0x3050 ss:$0x1] =	vst.idx.msk $0xffff, v61  }
0x1a3: {  	[tilespmem:v3+s22+$0x2850 ss:$0x1] =	vst.idx.msk $0xffff, v6;
	v4 =	vld.idx.msk [tilespmem:v3+s22+$0x3060 ss:$0x1], $0xffff  }
0x1a4: {  	v6 =	vld.idx.msk [tilespmem:v3+s22+$0x2860 ss:$0x1], $0xffff;
	_ =	sdelay $0x1  }
0x1a5: {  	v5 =	vmul.f32 $2.262741660e+01, v62  }
0x1a6: {  	v7 =	vmul.f32 $2.262741660e+01, v7  }
0x1a7: {  	[tilespmem:v3+s22+$0x2C60 ss:$0x1] =	vst.idx.msk $0xffff, v5;
	v4 =	vmul.f32 $2.262741660e+01, v4  }
0x1a8: {  	[tilespmem:v3+s22+$0x2460 ss:$0x1] =	vst.idx.msk $0xffff, v7;
	v5 =	vld.idx.msk [tilespmem:v3+s22+$0x2C70 ss:$0x1], $0xffff;
	v6 =	vmul.f32 $2.262741660e+01, v6  }
0x1a9: {  	v7 =	vld.idx.msk [tilespmem:v3+s22+$0x2470 ss:$0x1], $0xffff;
	[tilespmem:v3+s22+$0x3060 ss:$0x1] =	vst.idx.msk $0xffff, v4  }
0x1aa: {  	[tilespmem:v3+s22+$0x2860 ss:$0x1] =	vst.idx.msk $0xffff, v6;
	v4 =	vld.idx.msk [tilespmem:v3+s22+$0x3070 ss:$0x1], $0xffff  }
0x1ab: {  	v6 =	vld.idx.msk [tilespmem:v3+s22+$0x2870 ss:$0x1], $0xffff;
	_ =	sdelay $0x1  }
0x1ac: {  	s17 =	sadd.s32 $0x1, s17;
	v5 =	vmul.f32 $2.262741660e+01, v5  }
0x1ad: {  	p0 =	sne.s32 s17, $0x20;
	v7 =	vmul.f32 $2.262741660e+01, v7  }
.Ltmp2:
0x1ae: {  	[tilespmem:v3+s22+$0x2C70 ss:$0x1] =	vst.idx.msk $0xffff, v5;
	v4 =	vmul.f32 $2.262741660e+01, v4;
	(pc) =	sbr.rel @p0 .LBB2_2-.Ltmp2, $4  }
0x1af: {  	[tilespmem:v3+s22+$0x2470 ss:$0x1] =	vst.idx.msk $0xffff, v7;
	v63 =	vmul.f32 $2.262741660e+01, v6  }
0x1b0: {  	[tilespmem:v3+s22+$0x3070 ss:$0x1] =	vst.idx.msk $0xffff, v4  }
0x1b1: {  	s18 =	sadd.s32 $0x2400, s18;
	s19 =	sadd.s32 s19, s8;
	[tilespmem:v3+s22+$0x2870 ss:$0x1] =	vst.idx.msk $0xffff, v63  }
0x1b2: {  	[hbm4b:s19+s4] =	stream.linear.scatter [tilespmem:s18], [sflag:s20], $0x2000, $0x38;
	[tilespmem:$0x1C400] =	vst v63  }
0x1b3: {  	_ =	swait.ge [sflag:s0], $0x4000  }
0x1b4: {  	[sflag:s0] =	ssyncset.done $0x0  }
0x1b5: {  	[sflag:s0] =	ssyncadd.s32 $0xFFFFC000  }
0x1b6: {  	_ =	swait.ge [sflag:s2], $0x4000  }
0x1b7: {  	[sflag:s2] =	ssyncset.done $0x0  }
0x1b8: {  	[sflag:s2] =	ssyncadd.s32 $0xFFFFC000  }
0x1b9: {  	_ =	swait.ge [sflag:s10], $0x4000  }
0x1ba: {  	[sflag:s10] =	ssyncset.done $0x0  }
0x1bb: {  	[sflag:s10] =	ssyncadd.s32 $0xFFFFC000  }
0x1bc: {  	_ =	swait.ge [sflag:s11], $0x4000  }
0x1bd: {  	[sflag:s11] =	ssyncset.done $0x0  }
0x1be: {  	[sflag:s11] =	ssyncadd.s32 $0xFFFFC000  }
0x1bf: {  	_ =	swait.ge [sflag:s13], $0x4000  }
0x1c0: {  	[sflag:s13] =	ssyncset.done $0x0  }
0x1c1: {  	s16 =	sadd.s32 $0x1, s16;
	[sflag:s13] =	ssyncadd.s32 $0xFFFFC000  }
0x1c2: {  	p0 =	sne.s32 s16, s9;
	_ =	swait.ge [sflag:s14], $0x4000  }
.Ltmp3:
0x1c3: {  	[sflag:s14] =	ssyncset.done $0x0;
	(pc) =	sbr.rel @p0 .LBB2_1-.Ltmp3, $4  }
0x1c4: {  	[sflag:s14] =	ssyncadd.s32 $0xFFFFC000  }
0x1c5: {  	_ =	swait.ge [sflag:s15], $0x4000  }
0x1c6: {  	[sflag:s15] =	ssyncset.done $0x0  }
0x1c7: {  	[sflag:s15] =	ssyncadd.s32 $0xFFFFC000  }
0x1c8: {  	_ =	sfence.sel $0x180000  }
0x1c9: {  	[bflag:$0x0] =	sbarrier.arrive $0xFFFF  }
0x1ca: {  	_ =	strace $0x90000047  }
0x1cb: {  	s0 =	stileid.u32;
	[bflag:$0x2] =	sbarrier.arrive $0xFFFF  }
0x1cc: {  	p0 =	sne.s32 s0, $0x0;
	s0 =	rddreg [dreg:$0x3]  }
0x1cd: {  	s0 =	sadd.s32 @!p0 $0x100000, s0  }
0x1ce: {  	[sflag:s0] =	ssyncadd.tile.s32 @!p0 $0x1;
	_ =	shalt  }
.Lfunc_end2:
_tile_overlayer_lowered:
.L_overlay_start_2:
0x1cf: {  	(tag) =	ssettag $0x2  }
0x1d0: {  	s0 =	rddreg [dreg:$0x0];
	s2 =	stileid.u32  }
0x1d1: {  	s1 =	rddreg [dreg:$0x1];
	p0 =	sne.s32 s2, $0x0  }
0x1d2: {  	s3 =	rddreg [dreg:$0x2];
	[bflag:$0x3] =	sbarrier.arrive $0xFFFF;
	s2 =	simm.s32 @!p0 $0x1C0F  }
0x1d3: {  	[timem:s3], [sflag:s2] =	dma.local @!p0 [hbm:s0], s1  }
0x1d4: {  	s0 =	simm.s32 @!p0 $0xF  }
0x1d5: {  	_ =	swait.ge @!p0 [sflag:s0], s1  }
0x1d6: {  	s1 =	ssub.s32 @!p0 $0x0, s1;
	[sflag:s0] =	ssyncset.done @!p0 $0x0  }
0x1d7: {  	[sflag:s0] =	ssyncadd.s32 @!p0 s1  }
0x1d8: {  	[bflag:$0x3] =	sbarrier.arrive $0xFFFF  }
0x1d9: {  	_ =	shalt  }

</sc_bundles>
